<compile_context>
chip_gen: v7x
topology: tpu7x:2x2x1
jax: 0.10.2.dev20260603
libtpu: 0.0.44.dev20260713+nightly
codegen_flags: <defaults>
</compile_context>

<pallas_src>
import functools

import jax
import jax.numpy as jnp
from jax import lax
from jax.experimental import pallas as pl
from jax.experimental.pallas import tpu as pltpu
from jax.experimental.pallas import tpu_sc as plsc

NUM_EMB = 8192
DIM = 64
N_TOK = 16384

BLK_M = 512
BLK_K = 2048
ROUND_K = 4096
GRID_M = N_TOK // BLK_M
N_CHUNK = NUM_EMB // BLK_K
SUB_CHUNK = ROUND_K // BLK_K

SC_NC = 2
SC_NS = 16
SC_NW = SC_NC * SC_NS
SC_LANE = 128
SC_ROWS = N_TOK // SC_LANE
SC_RPW = SC_ROWS // SC_NW


def _argmin_body(e_ref, e2_ref, w_ref, w2_ref, idx_ref, loss_ref):
    i = pl.program_id(0)
    e_blk = e_ref[...] * -2.0
    e2 = e2_ref[...]
    best = None
    bexact = None
    barg = None
    for c in range(N_CHUNK):
        wc = w_ref[pl.ds(c * BLK_K, BLK_K), :]
        m = lax.dot_general(
            e_blk, wc, (((1,), (1,)), ((), ())),
            precision=lax.Precision.DEFAULT,
            preferred_element_type=jnp.float32)
        d = e2 + m + w2_ref[:, pl.ds(c * BLK_K, BLK_K)]
        cmin = jnp.min(d, axis=1, keepdims=True)
        iota = lax.broadcasted_iota(jnp.int32, d.shape, 1)
        carg = jnp.min(jnp.where(d == cmin, iota, jnp.int32(2**30)),
                       axis=1, keepdims=True) + (c * BLK_K)
        if c % SUB_CHUNK == 0:
            gbest, garg = cmin, carg
        else:
            gb = cmin < gbest
            gbest = jnp.where(gb, cmin, gbest)
            garg = jnp.where(gb, carg, garg)
        if c % SUB_CHUNK == SUB_CHUNK - 1:
            gbest_r = gbest.astype(jnp.bfloat16).astype(jnp.float32)
            if best is None:
                best, bexact, barg = gbest_r, gbest, garg
            else:
                better = gbest < best
                best = jnp.where(better, gbest_r, best)
                bexact = jnp.where(better, gbest, bexact)
                barg = jnp.where(better, garg, barg)
    idx_ref[...] = barg.reshape(1, BLK_M // SC_LANE, SC_LANE)
    loss_ref[...] = jnp.sum(bexact).reshape(1, 1, 1)


_argmin_call = pl.pallas_call(
    _argmin_body,
    grid=(GRID_M,),
    in_specs=[
        pl.BlockSpec((BLK_M, DIM), lambda i: (i, 0)),
        pl.BlockSpec((BLK_M, 1), lambda i: (i, 0)),
        pl.BlockSpec((NUM_EMB, DIM), lambda i: (0, 0)),
        pl.BlockSpec((1, NUM_EMB), lambda i: (0, 0)),
    ],
    out_specs=[
        pl.BlockSpec((1, BLK_M // SC_LANE, SC_LANE), lambda i: (i, 0, 0)),
        pl.BlockSpec((1, 1, 1), lambda i: (i, 0, 0)),
    ],
    out_shape=[
        jax.ShapeDtypeStruct((GRID_M, BLK_M // SC_LANE, SC_LANE), jnp.int32),
        jax.ShapeDtypeStruct((GRID_M, 1, 1), jnp.float32),
    ],
    compiler_params=pltpu.CompilerParams(
        dimension_semantics=("arbitrary",)),
)


def _sc_body(w_hbm, idx_hbm, out_hbm, cnt_hbm, idx_v, rows_v, ones_v, zer_v,
             sem, hist_sh):
    cid = lax.axis_index("c")
    sid = lax.axis_index("s")
    wid = sid * SC_NC + cid
    base = wid * SC_RPW
    pltpu.sync_copy(idx_hbm.at[pl.ds(base, SC_RPW)], idx_v)
    cps = [pltpu.async_copy(w_hbm.at[idx_v.at[j]], rows_v.at[j], sem)
           for j in range(SC_RPW)]
    for cp in cps:
        cp.wait()
    pltpu.sync_copy(rows_v, out_hbm.at[pl.ds(base, SC_RPW)])

    span = NUM_EMB // SC_NS
    for t in range(span // 16):
        zer_v[pl.ds(t * 16, 16)] = jnp.zeros((16,), jnp.float32)
    for t in range(SC_LANE // 16):
        ones_v[pl.ds(t * 16, 16)] = jnp.ones((16,), jnp.float32)
    pltpu.sync_copy(zer_v, hist_sh.at[pl.ds(sid * span, span)])
    plsc.subcore_barrier()
    for j in range(SC_RPW):
        pltpu.sync_copy(ones_v, hist_sh.at[idx_v.at[j]], add=True)
    plsc.subcore_barrier()
    pltpu.sync_copy(hist_sh.at[pl.ds(sid * span, span)],
                    cnt_hbm.at[cid, pl.ds(sid * span, span)])


@functools.cache
def _get_sc_call():
    return pl.kernel(
        _sc_body,
        mesh=plsc.VectorSubcoreMesh(core_axis_name="c", subcore_axis_name="s"),
        compiler_params=pltpu.CompilerParams(use_tc_tiling_on_sc=False),
        out_type=[
            jax.ShapeDtypeStruct((SC_ROWS, SC_LANE, DIM), jnp.float32),
            jax.ShapeDtypeStruct((SC_NC, NUM_EMB), jnp.float32),
        ],
        scratch_types=[
            pltpu.VMEM((SC_RPW, SC_LANE), jnp.int32),
            pltpu.VMEM((SC_RPW, SC_LANE, DIM), jnp.float32),
            pltpu.VMEM((SC_LANE,), jnp.float32),
            pltpu.VMEM((NUM_EMB // SC_NS,), jnp.float32),
            pltpu.SemaphoreType.DMA,
            pltpu.VMEM_SHARED((NUM_EMB,), jnp.float32),
        ],
    )


def kernel(e, W):
    e2 = jnp.sum(e ** 2, axis=1, keepdims=True)
    w2 = jnp.sum(W ** 2, axis=1).reshape(1, NUM_EMB)
    idx3d, loss_parts = _argmin_call(e, e2, W, w2)
    loss = jnp.sum(loss_parts) * (1.0 / float(N_TOK * DIM))
    idx = idx3d.reshape(N_TOK)
    q3, cnt = _get_sc_call()(W, idx3d.reshape(SC_ROWS, SC_LANE))
    quantized = q3.reshape(N_TOK, DIM)
    counts = cnt[0] + cnt[1]
    usage = jnp.max(counts) / jnp.float32(N_TOK)
    quantized_st = e + (quantized - e)
    return (quantized_st, idx, loss, usage)

# --- scband reference (transcript-rebuilt; emitter-appended) ---
"""Pipeline reference for scband-vector-quantizer-17755394801832 (READ-ONLY COPY).

The authoritative reference and input builder live on the scoring server;
editing this copy changes nothing except your own understanding.
"""

import jax, jax.numpy as jnp
import numpy as np

NUM_EMBEDDINGS = 8192
EMBEDDING_DIM = 64

def setup_inputs(seed: int = 0) -> dict:
    key = jax.random.key(seed)
    k1, k2 = jax.random.split(key)
    e = jax.random.normal(k1, (16384, EMBEDDING_DIM), dtype=jnp.float32)
    # embedding initialized uniform(-1/K, 1/K) as in the torch module
    W = jax.random.uniform(k2, (NUM_EMBEDDINGS, EMBEDDING_DIM), dtype=jnp.float32,
                           minval=-1.0 / NUM_EMBEDDINGS, maxval=1.0 / NUM_EMBEDDINGS)
    return {"e": e, "W": W}

def reference(e, W):
    flat_input = e.reshape(-1, EMBEDDING_DIM)
    distances = (jnp.sum(flat_input ** 2, axis=1, keepdims=True)
                 - 2.0 * jnp.matmul(flat_input, W.T)
                 + jnp.sum(W ** 2, axis=1))
    encoding_indices = jnp.argmin(distances, axis=1)
    encodings = jax.nn.one_hot(encoding_indices, NUM_EMBEDDINGS, dtype=jnp.float32)
    quantized = jnp.matmul(encodings, W)
    quantized = quantized.reshape(e.shape)
    commitment_loss = jnp.mean((jax.lax.stop_gradient(quantized) - e) ** 2)
    counts = jnp.sum(encodings, axis=0)
    codebook_usage = jnp.max(counts) / jnp.sum(counts)
    quantized_st = e + jax.lax.stop_gradient(quantized - e)
    return (quantized_st, encoding_indices, commitment_loss, codebook_usage)

if __name__ == "__main__":
    import jax
    _d = setup_inputs()
    print(jax.jit(kernel)(*tuple(_d.values())))

</pallas_src>

<mosaic_0001>
#map = affine_map<(d0, d1) -> (0, 0)>
#map1 = affine_map<(d0, d1) -> (0, 0, 0)>
module attributes {stable_mosaic.version = 14 : i64} {
  func.func @_sc_body(%arg0: i32, %arg1: i32, %arg2: memref<8192x64xf32, #tpu.memory_space<hbm>>, %arg3: memref<128x128xi32, #tpu.memory_space<hbm>>, %arg4: memref<128x128x64xf32, #tpu.memory_space<hbm>>, %arg5: memref<2x8192xf32, #tpu.memory_space<hbm>>, %arg6: memref<4x128xi32, #tpu.memory_space<vmem>>, %arg7: memref<4x128x64xf32, #tpu.memory_space<vmem>>, %arg8: memref<128xf32, #tpu.memory_space<vmem>>, %arg9: memref<512xf32, #tpu.memory_space<vmem>>, %arg10: memref<!tpu.dma_semaphore, #tpu.memory_space<semaphore_mem>>, %arg11: memref<8192xf32, #tpu.memory_space<vmem_shared>>) attributes {dimension_semantics = [#tpu.dimension_semantics<core_parallel>, #tpu.dimension_semantics<subcore_parallel>], iteration_bounds = array<i64: 2, 16>, scalar_prefetch = 0 : i64, scratch_operands = 6 : i64, tpu.core_type = #tpu.core_type<sc_vector_subcore>, window_params = [{transform_indices = #map}, {transform_indices = #map}, {transform_indices = #map1}, {transform_indices = #map}]} {
    %mul3A = arith.constant 2 : i32
    %mul3A_0 = arith.muli %arg1, %mul3A : i32
    %add3A = arith.addi %mul3A_0, %arg0 : i32
    %mul3A_1 = arith.constant 4 : i32
    %mul3A_2 = arith.muli %add3A, %mul3A_1 : i32
    "tpu.region"() ({
      %run_scoped3A_345 = tpu.sem_alloc : memref<!tpu.dma_semaphore, #tpu.memory_space<semaphore_mem>>
      %dma_start3A_346 = arith.constant 0 : i32
      %dma_start3A_347 = tpu.memref_slice %arg3[%mul3A_2, %dma_start3A_346] : memref<128x128xi32, #tpu.memory_space<hbm>> -> memref<4x128xi32, #tpu.memory_space<hbm>>
      %dma_start3A_348 = arith.constant 0 : i32
      %dma_start3A_349 = tpu.memref_slice %arg3[%mul3A_2, %dma_start3A_348] : memref<128x128xi32, #tpu.memory_space<hbm>> -> memref<4x128xi32, #tpu.memory_space<hbm>>
      tpu.enqueue_dma source(%dma_start3A_349 : memref<4x128xi32, #tpu.memory_space<hbm>>) target(%arg6 : memref<4x128xi32, #tpu.memory_space<vmem>>) target_semaphore(%run_scoped3A_345 : memref<!tpu.dma_semaphore, #tpu.memory_space<semaphore_mem>>)
      %dma_wait3A_350 = arith.constant 0 : i32
      %dma_wait3A_351 = tpu.memref_slice %arg3[%mul3A_2, %dma_wait3A_350] : memref<128x128xi32, #tpu.memory_space<hbm>> -> memref<4x128xi32, #tpu.memory_space<hbm>>
      %dma_wait3A_352 = arith.constant 0 : i32
      %dma_wait3A_353 = tpu.memref_slice %arg3[%mul3A_2, %dma_wait3A_352] : memref<128x128xi32, #tpu.memory_space<hbm>> -> memref<4x128xi32, #tpu.memory_space<hbm>>
      tpu.wait_dma2 semaphore(%run_scoped3A_345 : memref<!tpu.dma_semaphore, #tpu.memory_space<semaphore_mem>>) src(%dma_wait3A_353 : memref<4x128xi32, #tpu.memory_space<hbm>>) dst(%arg6 : memref<4x128xi32, #tpu.memory_space<vmem>>)
      tpu.yield
    }) : () -> ()
    %dma_start3A = arith.constant 0 : i32
    %dma_start3A_3 = arith.constant 0 : i32
    %dma_start3A_4 = arith.constant 0 : i32
    %dma_start3A_5 = arith.constant 0 : i32
    %dma_start3A_6 = tpu.memref_slice %arg7[%dma_start3A_3, %dma_start3A_4, %dma_start3A_5] : memref<4x128x64xf32, #tpu.memory_space<vmem>> -> memref<1x128x64xf32, #tpu.memory_space<vmem>>
    %dma_start3A_7 = tpu.memref_squeeze %dma_start3A_6 : memref<1x128x64xf32, #tpu.memory_space<vmem>> -> memref<128x64xf32, #tpu.memory_space<vmem>>
    %dma_start3A_8 = arith.constant 0 : i32
    %dma_start3A_9 = tpu.memref_slice %arg6[%dma_start3A, %dma_start3A_8] : memref<4x128xi32, #tpu.memory_space<vmem>> -> memref<1x128xi32, #tpu.memory_space<vmem>>
    %dma_start3A_10 = tpu.memref_squeeze %dma_start3A_9 : memref<1x128xi32, #tpu.memory_space<vmem>> -> memref<128xi32, #tpu.memory_space<vmem>>
    %dma_start3A_11 = arith.constant 0 : i32
    %dma_start3A_12 = arith.constant 0 : i32
    %dma_start3A_13 = tpu.memref_slice %arg2[%dma_start3A_11, %dma_start3A_12] : memref<8192x64xf32, #tpu.memory_space<hbm>> -> memref<8192x64xf32, #tpu.memory_space<hbm>>
    tpu.enqueue_indirect_dma source(%dma_start3A_13 : memref<8192x64xf32, #tpu.memory_space<hbm>>) target(%dma_start3A_7 : memref<128x64xf32, #tpu.memory_space<vmem>>) offsets(%dma_start3A_10 : memref<128xi32, #tpu.memory_space<vmem>>) semaphore(%arg10 : memref<!tpu.dma_semaphore, #tpu.memory_space<semaphore_mem>>)
    %dma_start3A_14 = arith.constant 1 : i32
    %dma_start3A_15 = arith.constant 1 : i32
    %dma_start3A_16 = arith.constant 0 : i32
    %dma_start3A_17 = arith.constant 0 : i32
    %dma_start3A_18 = tpu.memref_slice %arg7[%dma_start3A_15, %dma_start3A_16, %dma_start3A_17] : memref<4x128x64xf32, #tpu.memory_space<vmem>> -> memref<1x128x64xf32, #tpu.memory_space<vmem>>
    %dma_start3A_19 = tpu.memref_squeeze %dma_start3A_18 : memref<1x128x64xf32, #tpu.memory_space<vmem>> -> memref<128x64xf32, #tpu.memory_space<vmem>>
    %dma_start3A_20 = arith.constant 0 : i32
    %dma_start3A_21 = tpu.memref_slice %arg6[%dma_start3A_14, %dma_start3A_20] : memref<4x128xi32, #tpu.memory_space<vmem>> -> memref<1x128xi32, #tpu.memory_space<vmem>>
    %dma_start3A_22 = tpu.memref_squeeze %dma_start3A_21 : memref<1x128xi32, #tpu.memory_space<vmem>> -> memref<128xi32, #tpu.memory_space<vmem>>
    %dma_start3A_23 = arith.constant 0 : i32
    %dma_start3A_24 = arith.constant 0 : i32
    %dma_start3A_25 = tpu.memref_slice %arg2[%dma_start3A_23, %dma_start3A_24] : memref<8192x64xf32, #tpu.memory_space<hbm>> -> memref<8192x64xf32, #tpu.memory_space<hbm>>
    tpu.enqueue_indirect_dma source(%dma_start3A_25 : memref<8192x64xf32, #tpu.memory_space<hbm>>) target(%dma_start3A_19 : memref<128x64xf32, #tpu.memory_space<vmem>>) offsets(%dma_start3A_22 : memref<128xi32, #tpu.memory_space<vmem>>) semaphore(%arg10 : memref<!tpu.dma_semaphore, #tpu.memory_space<semaphore_mem>>)
    %dma_start3A_26 = arith.constant 2 : i32
    %dma_start3A_27 = arith.constant 2 : i32
    %dma_start3A_28 = arith.constant 0 : i32
    %dma_start3A_29 = arith.constant 0 : i32
    %dma_start3A_30 = tpu.memref_slice %arg7[%dma_start3A_27, %dma_start3A_28, %dma_start3A_29] : memref<4x128x64xf32, #tpu.memory_space<vmem>> -> memref<1x128x64xf32, #tpu.memory_space<vmem>>
    %dma_start3A_31 = tpu.memref_squeeze %dma_start3A_30 : memref<1x128x64xf32, #tpu.memory_space<vmem>> -> memref<128x64xf32, #tpu.memory_space<vmem>>
    %dma_start3A_32 = arith.constant 0 : i32
    %dma_start3A_33 = tpu.memref_slice %arg6[%dma_start3A_26, %dma_start3A_32] : memref<4x128xi32, #tpu.memory_space<vmem>> -> memref<1x128xi32, #tpu.memory_space<vmem>>
    %dma_start3A_34 = tpu.memref_squeeze %dma_start3A_33 : memref<1x128xi32, #tpu.memory_space<vmem>> -> memref<128xi32, #tpu.memory_space<vmem>>
    %dma_start3A_35 = arith.constant 0 : i32
    %dma_start3A_36 = arith.constant 0 : i32
    %dma_start3A_37 = tpu.memref_slice %arg2[%dma_start3A_35, %dma_start3A_36] : memref<8192x64xf32, #tpu.memory_space<hbm>> -> memref<8192x64xf32, #tpu.memory_space<hbm>>
    tpu.enqueue_indirect_dma source(%dma_start3A_37 : memref<8192x64xf32, #tpu.memory_space<hbm>>) target(%dma_start3A_31 : memref<128x64xf32, #tpu.memory_space<vmem>>) offsets(%dma_start3A_34 : memref<128xi32, #tpu.memory_space<vmem>>) semaphore(%arg10 : memref<!tpu.dma_semaphore, #tpu.memory_space<semaphore_mem>>)
    %dma_start3A_38 = arith.constant 3 : i32
    %dma_start3A_39 = arith.constant 3 : i32
    %dma_start3A_40 = arith.constant 0 : i32
    %dma_start3A_41 = arith.constant 0 : i32
    %dma_start3A_42 = tpu.memref_slice %arg7[%dma_start3A_39, %dma_start3A_40, %dma_start3A_41] : memref<4x128x64xf32, #tpu.memory_space<vmem>> -> memref<1x128x64xf32, #tpu.memory_space<vmem>>
    %dma_start3A_43 = tpu.memref_squeeze %dma_start3A_42 : memref<1x128x64xf32, #tpu.memory_space<vmem>> -> memref<128x64xf32, #tpu.memory_space<vmem>>
    %dma_start3A_44 = arith.constant 0 : i32
    %dma_start3A_45 = tpu.memref_slice %arg6[%dma_start3A_38, %dma_start3A_44] : memref<4x128xi32, #tpu.memory_space<vmem>> -> memref<1x128xi32, #tpu.memory_space<vmem>>
    %dma_start3A_46 = tpu.memref_squeeze %dma_start3A_45 : memref<1x128xi32, #tpu.memory_space<vmem>> -> memref<128xi32, #tpu.memory_space<vmem>>
    %dma_start3A_47 = arith.constant 0 : i32
    %dma_start3A_48 = arith.constant 0 : i32
    %dma_start3A_49 = tpu.memref_slice %arg2[%dma_start3A_47, %dma_start3A_48] : memref<8192x64xf32, #tpu.memory_space<hbm>> -> memref<8192x64xf32, #tpu.memory_space<hbm>>
    tpu.enqueue_indirect_dma source(%dma_start3A_49 : memref<8192x64xf32, #tpu.memory_space<hbm>>) target(%dma_start3A_43 : memref<128x64xf32, #tpu.memory_space<vmem>>) offsets(%dma_start3A_46 : memref<128xi32, #tpu.memory_space<vmem>>) semaphore(%arg10 : memref<!tpu.dma_semaphore, #tpu.memory_space<semaphore_mem>>)
    %dma_wait3A = arith.constant 0 : i32
    %dma_wait3A_50 = arith.constant 0 : i32
    %dma_wait3A_51 = arith.constant 0 : i32
    %dma_wait3A_52 = arith.constant 0 : i32
    %dma_wait3A_53 = tpu.memref_slice %arg7[%dma_wait3A_50, %dma_wait3A_51, %dma_wait3A_52] : memref<4x128x64xf32, #tpu.memory_space<vmem>> -> memref<1x128x64xf32, #tpu.memory_space<vmem>>
    %dma_wait3A_54 = tpu.memref_squeeze %dma_wait3A_53 : memref<1x128x64xf32, #tpu.memory_space<vmem>> -> memref<128x64xf32, #tpu.memory_space<vmem>>
    %dma_wait3A_55 = arith.constant 0 : i32
    %dma_wait3A_56 = tpu.memref_slice %arg6[%dma_wait3A, %dma_wait3A_55] : memref<4x128xi32, #tpu.memory_space<vmem>> -> memref<1x128xi32, #tpu.memory_space<vmem>>
    %dma_wait3A_57 = tpu.memref_squeeze %dma_wait3A_56 : memref<1x128xi32, #tpu.memory_space<vmem>> -> memref<128xi32, #tpu.memory_space<vmem>>
    %dma_wait3A_58 = arith.constant 0 : i32
    %dma_wait3A_59 = arith.constant 0 : i32
    %dma_wait3A_60 = tpu.memref_slice %arg2[%dma_wait3A_58, %dma_wait3A_59] : memref<8192x64xf32, #tpu.memory_space<hbm>> -> memref<8192x64xf32, #tpu.memory_space<hbm>>
    tpu.wait_indirect_dma semaphore(%arg10 : memref<!tpu.dma_semaphore, #tpu.memory_space<semaphore_mem>>) src(%dma_wait3A_60 : memref<8192x64xf32, #tpu.memory_space<hbm>>) dst(%dma_wait3A_54 : memref<128x64xf32, #tpu.memory_space<vmem>>)
    %dma_wait3A_61 = arith.constant 1 : i32
    %dma_wait3A_62 = arith.constant 1 : i32
    %dma_wait3A_63 = arith.constant 0 : i32
    %dma_wait3A_64 = arith.constant 0 : i32
    %dma_wait3A_65 = tpu.memref_slice %arg7[%dma_wait3A_62, %dma_wait3A_63, %dma_wait3A_64] : memref<4x128x64xf32, #tpu.memory_space<vmem>> -> memref<1x128x64xf32, #tpu.memory_space<vmem>>
    %dma_wait3A_66 = tpu.memref_squeeze %dma_wait3A_65 : memref<1x128x64xf32, #tpu.memory_space<vmem>> -> memref<128x64xf32, #tpu.memory_space<vmem>>
    %dma_wait3A_67 = arith.constant 0 : i32
    %dma_wait3A_68 = tpu.memref_slice %arg6[%dma_wait3A_61, %dma_wait3A_67] : memref<4x128xi32, #tpu.memory_space<vmem>> -> memref<1x128xi32, #tpu.memory_space<vmem>>
    %dma_wait3A_69 = tpu.memref_squeeze %dma_wait3A_68 : memref<1x128xi32, #tpu.memory_space<vmem>> -> memref<128xi32, #tpu.memory_space<vmem>>
    %dma_wait3A_70 = arith.constant 0 : i32
    %dma_wait3A_71 = arith.constant 0 : i32
    %dma_wait3A_72 = tpu.memref_slice %arg2[%dma_wait3A_70, %dma_wait3A_71] : memref<8192x64xf32, #tpu.memory_space<hbm>> -> memref<8192x64xf32, #tpu.memory_space<hbm>>
    tpu.wait_indirect_dma semaphore(%arg10 : memref<!tpu.dma_semaphore, #tpu.memory_space<semaphore_mem>>) src(%dma_wait3A_72 : memref<8192x64xf32, #tpu.memory_space<hbm>>) dst(%dma_wait3A_66 : memref<128x64xf32, #tpu.memory_space<vmem>>)
    %dma_wait3A_73 = arith.constant 2 : i32
    %dma_wait3A_74 = arith.constant 2 : i32
    %dma_wait3A_75 = arith.constant 0 : i32
    %dma_wait3A_76 = arith.constant 0 : i32
    %dma_wait3A_77 = tpu.memref_slice %arg7[%dma_wait3A_74, %dma_wait3A_75, %dma_wait3A_76] : memref<4x128x64xf32, #tpu.memory_space<vmem>> -> memref<1x128x64xf32, #tpu.memory_space<vmem>>
    %dma_wait3A_78 = tpu.memref_squeeze %dma_wait3A_77 : memref<1x128x64xf32, #tpu.memory_space<vmem>> -> memref<128x64xf32, #tpu.memory_space<vmem>>
    %dma_wait3A_79 = arith.constant 0 : i32
    %dma_wait3A_80 = tpu.memref_slice %arg6[%dma_wait3A_73, %dma_wait3A_79] : memref<4x128xi32, #tpu.memory_space<vmem>> -> memref<1x128xi32, #tpu.memory_space<vmem>>
    %dma_wait3A_81 = tpu.memref_squeeze %dma_wait3A_80 : memref<1x128xi32, #tpu.memory_space<vmem>> -> memref<128xi32, #tpu.memory_space<vmem>>
    %dma_wait3A_82 = arith.constant 0 : i32
    %dma_wait3A_83 = arith.constant 0 : i32
    %dma_wait3A_84 = tpu.memref_slice %arg2[%dma_wait3A_82, %dma_wait3A_83] : memref<8192x64xf32, #tpu.memory_space<hbm>> -> memref<8192x64xf32, #tpu.memory_space<hbm>>
    tpu.wait_indirect_dma semaphore(%arg10 : memref<!tpu.dma_semaphore, #tpu.memory_space<semaphore_mem>>) src(%dma_wait3A_84 : memref<8192x64xf32, #tpu.memory_space<hbm>>) dst(%dma_wait3A_78 : memref<128x64xf32, #tpu.memory_space<vmem>>)
    %dma_wait3A_85 = arith.constant 3 : i32
    %dma_wait3A_86 = arith.constant 3 : i32
    %dma_wait3A_87 = arith.constant 0 : i32
    %dma_wait3A_88 = arith.constant 0 : i32
    %dma_wait3A_89 = tpu.memref_slice %arg7[%dma_wait3A_86, %dma_wait3A_87, %dma_wait3A_88] : memref<4x128x64xf32, #tpu.memory_space<vmem>> -> memref<1x128x64xf32, #tpu.memory_space<vmem>>
    %dma_wait3A_90 = tpu.memref_squeeze %dma_wait3A_89 : memref<1x128x64xf32, #tpu.memory_space<vmem>> -> memref<128x64xf32, #tpu.memory_space<vmem>>
    %dma_wait3A_91 = arith.constant 0 : i32
    %dma_wait3A_92 = tpu.memref_slice %arg6[%dma_wait3A_85, %dma_wait3A_91] : memref<4x128xi32, #tpu.memory_space<vmem>> -> memref<1x128xi32, #tpu.memory_space<vmem>>
    %dma_wait3A_93 = tpu.memref_squeeze %dma_wait3A_92 : memref<1x128xi32, #tpu.memory_space<vmem>> -> memref<128xi32, #tpu.memory_space<vmem>>
    %dma_wait3A_94 = arith.constant 0 : i32
    %dma_wait3A_95 = arith.constant 0 : i32
    %dma_wait3A_96 = tpu.memref_slice %arg2[%dma_wait3A_94, %dma_wait3A_95] : memref<8192x64xf32, #tpu.memory_space<hbm>> -> memref<8192x64xf32, #tpu.memory_space<hbm>>
    tpu.wait_indirect_dma semaphore(%arg10 : memref<!tpu.dma_semaphore, #tpu.memory_space<semaphore_mem>>) src(%dma_wait3A_96 : memref<8192x64xf32, #tpu.memory_space<hbm>>) dst(%dma_wait3A_90 : memref<128x64xf32, #tpu.memory_space<vmem>>)
    "tpu.region"() ({
      %run_scoped3A_345 = tpu.sem_alloc : memref<!tpu.dma_semaphore, #tpu.memory_space<semaphore_mem>>
      %dma_start3A_346 = arith.constant 0 : i32
      %dma_start3A_347 = arith.constant 0 : i32
      %dma_start3A_348 = tpu.memref_slice %arg4[%mul3A_2, %dma_start3A_346, %dma_start3A_347] : memref<128x128x64xf32, #tpu.memory_space<hbm>> -> memref<4x128x64xf32, #tpu.memory_space<hbm>>
      %dma_start3A_349 = arith.constant 0 : i32
      %dma_start3A_350 = arith.constant 0 : i32
      %dma_start3A_351 = tpu.memref_slice %arg4[%mul3A_2, %dma_start3A_349, %dma_start3A_350] : memref<128x128x64xf32, #tpu.memory_space<hbm>> -> memref<4x128x64xf32, #tpu.memory_space<hbm>>
      tpu.enqueue_dma source(%arg7 : memref<4x128x64xf32, #tpu.memory_space<vmem>>) target(%dma_start3A_351 : memref<4x128x64xf32, #tpu.memory_space<hbm>>) target_semaphore(%run_scoped3A_345 : memref<!tpu.dma_semaphore, #tpu.memory_space<semaphore_mem>>)
      %dma_wait3A_352 = arith.constant 0 : i32
      %dma_wait3A_353 = arith.constant 0 : i32
      %dma_wait3A_354 = tpu.memref_slice %arg4[%mul3A_2, %dma_wait3A_352, %dma_wait3A_353] : memref<128x128x64xf32, #tpu.memory_space<hbm>> -> memref<4x128x64xf32, #tpu.memory_space<hbm>>
      %dma_wait3A_355 = arith.constant 0 : i32
      %dma_wait3A_356 = arith.constant 0 : i32
      %dma_wait3A_357 = tpu.memref_slice %arg4[%mul3A_2, %dma_wait3A_355, %dma_wait3A_356] : memref<128x128x64xf32, #tpu.memory_space<hbm>> -> memref<4x128x64xf32, #tpu.memory_space<hbm>>
      tpu.wait_dma2 semaphore(%run_scoped3A_345 : memref<!tpu.dma_semaphore, #tpu.memory_space<semaphore_mem>>) src(%arg7 : memref<4x128x64xf32, #tpu.memory_space<vmem>>) dst(%dma_wait3A_357 : memref<4x128x64xf32, #tpu.memory_space<hbm>>)
      tpu.yield
    }) : () -> ()
    %broadcast_in_dim3A = arith.constant 0.000000e+00 : f32
    %broadcast_in_dim3A_97 = vector.broadcast %broadcast_in_dim3A : f32 to vector<16xf32>
    %swap3A = arith.constant 0 : index
    %swap3A_98 = tpu.vector_load %arg9[%swap3A] {strides = array<i32>} : memref<512xf32, #tpu.memory_space<vmem>>, vector<16xf32>,
    %swap3A_99 = vector.shape_cast %swap3A_98 : vector<16xf32> to vector<16xf32>
    %swap3A_100 = vector.shape_cast %broadcast_in_dim3A_97 : vector<16xf32> to vector<16xf32>
    tpu.vector_store %arg9[%swap3A], %swap3A_100 {strides = array<i32>} : memref<512xf32, #tpu.memory_space<vmem>>, vector<16xf32>,
    %broadcast_in_dim3A_101 = arith.constant 0.000000e+00 : f32
    %broadcast_in_dim3A_102 = vector.broadcast %broadcast_in_dim3A_101 : f32 to vector<16xf32>
    %swap3A_103 = arith.constant 16 : index
    %swap3A_104 = tpu.vector_load %arg9[%swap3A_103] {strides = array<i32>} : memref<512xf32, #tpu.memory_space<vmem>>, vector<16xf32>,
    %swap3A_105 = vector.shape_cast %swap3A_104 : vector<16xf32> to vector<16xf32>
    %swap3A_106 = vector.shape_cast %broadcast_in_dim3A_102 : vector<16xf32> to vector<16xf32>
    tpu.vector_store %arg9[%swap3A_103], %swap3A_106 {strides = array<i32>} : memref<512xf32, #tpu.memory_space<vmem>>, vector<16xf32>,
    %broadcast_in_dim3A_107 = arith.constant 0.000000e+00 : f32
    %broadcast_in_dim3A_108 = vector.broadcast %broadcast_in_dim3A_107 : f32 to vector<16xf32>
    %swap3A_109 = arith.constant 32 : index
    %swap3A_110 = tpu.vector_load %arg9[%swap3A_109] {strides = array<i32>} : memref<512xf32, #tpu.memory_space<vmem>>, vector<16xf32>,
    %swap3A_111 = vector.shape_cast %swap3A_110 : vector<16xf32> to vector<16xf32>
    %swap3A_112 = vector.shape_cast %broadcast_in_dim3A_108 : vector<16xf32> to vector<16xf32>
    tpu.vector_store %arg9[%swap3A_109], %swap3A_112 {strides = array<i32>} : memref<512xf32, #tpu.memory_space<vmem>>, vector<16xf32>,
    %broadcast_in_dim3A_113 = arith.constant 0.000000e+00 : f32
    %broadcast_in_dim3A_114 = vector.broadcast %broadcast_in_dim3A_113 : f32 to vector<16xf32>
    %swap3A_115 = arith.constant 48 : index
    %swap3A_116 = tpu.vector_load %arg9[%swap3A_115] {strides = array<i32>} : memref<512xf32, #tpu.memory_space<vmem>>, vector<16xf32>,
    %swap3A_117 = vector.shape_cast %swap3A_116 : vector<16xf32> to vector<16xf32>
    %swap3A_118 = vector.shape_cast %broadcast_in_dim3A_114 : vector<16xf32> to vector<16xf32>
    tpu.vector_store %arg9[%swap3A_115], %swap3A_118 {strides = array<i32>} : memref<512xf32, #tpu.memory_space<vmem>>, vector<16xf32>,
    %broadcast_in_dim3A_119 = arith.constant 0.000000e+00 : f32
    %broadcast_in_dim3A_120 = vector.broadcast %broadcast_in_dim3A_119 : f32 to vector<16xf32>
    %swap3A_121 = arith.constant 64 : index
    %swap3A_122 = tpu.vector_load %arg9[%swap3A_121] {strides = array<i32>} : memref<512xf32, #tpu.memory_space<vmem>>, vector<16xf32>,
    %swap3A_123 = vector.shape_cast %swap3A_122 : vector<16xf32> to vector<16xf32>
    %swap3A_124 = vector.shape_cast %broadcast_in_dim3A_120 : vector<16xf32> to vector<16xf32>
    tpu.vector_store %arg9[%swap3A_121], %swap3A_124 {strides = array<i32>} : memref<512xf32, #tpu.memory_space<vmem>>, vector<16xf32>,
    %broadcast_in_dim3A_125 = arith.constant 0.000000e+00 : f32
    %broadcast_in_dim3A_126 = vector.broadcast %broadcast_in_dim3A_125 : f32 to vector<16xf32>
    %swap3A_127 = arith.constant 80 : index
    %swap3A_128 = tpu.vector_load %arg9[%swap3A_127] {strides = array<i32>} : memref<512xf32, #tpu.memory_space<vmem>>, vector<16xf32>,
    %swap3A_129 = vector.shape_cast %swap3A_128 : vector<16xf32> to vector<16xf32>
    %swap3A_130 = vector.shape_cast %broadcast_in_dim3A_126 : vector<16xf32> to vector<16xf32>
    tpu.vector_store %arg9[%swap3A_127], %swap3A_130 {strides = array<i32>} : memref<512xf32, #tpu.memory_space<vmem>>, vector<16xf32>,
    %broadcast_in_dim3A_131 = arith.constant 0.000000e+00 : f32
    %broadcast_in_dim3A_132 = vector.broadcast %broadcast_in_dim3A_131 : f32 to vector<16xf32>
    %swap3A_133 = arith.constant 96 : index
    %swap3A_134 = tpu.vector_load %arg9[%swap3A_133] {strides = array<i32>} : memref<512xf32, #tpu.memory_space<vmem>>, vector<16xf32>,
    %swap3A_135 = vector.shape_cast %swap3A_134 : vector<16xf32> to vector<16xf32>
    %swap3A_136 = vector.shape_cast %broadcast_in_dim3A_132 : vector<16xf32> to vector<16xf32>
    tpu.vector_store %arg9[%swap3A_133], %swap3A_136 {strides = array<i32>} : memref<512xf32, #tpu.memory_space<vmem>>, vector<16xf32>,
    %broadcast_in_dim3A_137 = arith.constant 0.000000e+00 : f32
    %broadcast_in_dim3A_138 = vector.broadcast %broadcast_in_dim3A_137 : f32 to vector<16xf32>
    %swap3A_139 = arith.constant 112 : index
    %swap3A_140 = tpu.vector_load %arg9[%swap3A_139] {strides = array<i32>} : memref<512xf32, #tpu.memory_space<vmem>>, vector<16xf32>,
    %swap3A_141 = vector.shape_cast %swap3A_140 : vector<16xf32> to vector<16xf32>
    %swap3A_142 = vector.shape_cast %broadcast_in_dim3A_138 : vector<16xf32> to vector<16xf32>
    tpu.vector_store %arg9[%swap3A_139], %swap3A_142 {strides = array<i32>} : memref<512xf32, #tpu.memory_space<vmem>>, vector<16xf32>,
    %broadcast_in_dim3A_143 = arith.constant 0.000000e+00 : f32
    %broadcast_in_dim3A_144 = vector.broadcast %broadcast_in_dim3A_143 : f32 to vector<16xf32>
    %swap3A_145 = arith.constant 128 : index
    %swap3A_146 = tpu.vector_load %arg9[%swap3A_145] {strides = array<i32>} : memref<512xf32, #tpu.memory_space<vmem>>, vector<16xf32>,
    %swap3A_147 = vector.shape_cast %swap3A_146 : vector<16xf32> to vector<16xf32>
    %swap3A_148 = vector.shape_cast %broadcast_in_dim3A_144 : vector<16xf32> to vector<16xf32>
    tpu.vector_store %arg9[%swap3A_145], %swap3A_148 {strides = array<i32>} : memref<512xf32, #tpu.memory_space<vmem>>, vector<16xf32>,
    %broadcast_in_dim3A_149 = arith.constant 0.000000e+00 : f32
    %broadcast_in_dim3A_150 = vector.broadcast %broadcast_in_dim3A_149 : f32 to vector<16xf32>
    %swap3A_151 = arith.constant 144 : index
    %swap3A_152 = tpu.vector_load %arg9[%swap3A_151] {strides = array<i32>} : memref<512xf32, #tpu.memory_space<vmem>>, vector<16xf32>,
    %swap3A_153 = vector.shape_cast %swap3A_152 : vector<16xf32> to vector<16xf32>
    %swap3A_154 = vector.shape_cast %broadcast_in_dim3A_150 : vector<16xf32> to vector<16xf32>
    tpu.vector_store %arg9[%swap3A_151], %swap3A_154 {strides = array<i32>} : memref<512xf32, #tpu.memory_space<vmem>>, vector<16xf32>,
    %broadcast_in_dim3A_155 = arith.constant 0.000000e+00 : f32
    %broadcast_in_dim3A_156 = vector.broadcast %broadcast_in_dim3A_155 : f32 to vector<16xf32>
    %swap3A_157 = arith.constant 160 : index
    %swap3A_158 = tpu.vector_load %arg9[%swap3A_157] {strides = array<i32>} : memref<512xf32, #tpu.memory_space<vmem>>, vector<16xf32>,
    %swap3A_159 = vector.shape_cast %swap3A_158 : vector<16xf32> to vector<16xf32>
    %swap3A_160 = vector.shape_cast %broadcast_in_dim3A_156 : vector<16xf32> to vector<16xf32>
    tpu.vector_store %arg9[%swap3A_157], %swap3A_160 {strides = array<i32>} : memref<512xf32, #tpu.memory_space<vmem>>, vector<16xf32>,
    %broadcast_in_dim3A_161 = arith.constant 0.000000e+00 : f32
    %broadcast_in_dim3A_162 = vector.broadcast %broadcast_in_dim3A_161 : f32 to vector<16xf32>
    %swap3A_163 = arith.constant 176 : index
    %swap3A_164 = tpu.vector_load %arg9[%swap3A_163] {strides = array<i32>} : memref<512xf32, #tpu.memory_space<vmem>>, vector<16xf32>,
    %swap3A_165 = vector.shape_cast %swap3A_164 : vector<16xf32> to vector<16xf32>
    %swap3A_166 = vector.shape_cast %broadcast_in_dim3A_162 : vector<16xf32> to vector<16xf32>
    tpu.vector_store %arg9[%swap3A_163], %swap3A_166 {strides = array<i32>} : memref<512xf32, #tpu.memory_space<vmem>>, vector<16xf32>,
    %broadcast_in_dim3A_167 = arith.constant 0.000000e+00 : f32
    %broadcast_in_dim3A_168 = vector.broadcast %broadcast_in_dim3A_167 : f32 to vector<16xf32>
    %swap3A_169 = arith.constant 192 : index
    %swap3A_170 = tpu.vector_load %arg9[%swap3A_169] {strides = array<i32>} : memref<512xf32, #tpu.memory_space<vmem>>, vector<16xf32>,
    %swap3A_171 = vector.shape_cast %swap3A_170 : vector<16xf32> to vector<16xf32>
    %swap3A_172 = vector.shape_cast %broadcast_in_dim3A_168 : vector<16xf32> to vector<16xf32>
    tpu.vector_store %arg9[%swap3A_169], %swap3A_172 {strides = array<i32>} : memref<512xf32, #tpu.memory_space<vmem>>, vector<16xf32>,
    %broadcast_in_dim3A_173 = arith.constant 0.000000e+00 : f32
    %broadcast_in_dim3A_174 = vector.broadcast %broadcast_in_dim3A_173 : f32 to vector<16xf32>
    %swap3A_175 = arith.constant 208 : index
    %swap3A_176 = tpu.vector_load %arg9[%swap3A_175] {strides = array<i32>} : memref<512xf32, #tpu.memory_space<vmem>>, vector<16xf32>,
    %swap3A_177 = vector.shape_cast %swap3A_176 : vector<16xf32> to vector<16xf32>
    %swap3A_178 = vector.shape_cast %broadcast_in_dim3A_174 : vector<16xf32> to vector<16xf32>
    tpu.vector_store %arg9[%swap3A_175], %swap3A_178 {strides = array<i32>} : memref<512xf32, #tpu.memory_space<vmem>>, vector<16xf32>,
    %broadcast_in_dim3A_179 = arith.constant 0.000000e+00 : f32
    %broadcast_in_dim3A_180 = vector.broadcast %broadcast_in_dim3A_179 : f32 to vector<16xf32>
    %swap3A_181 = arith.constant 224 : index
    %swap3A_182 = tpu.vector_load %arg9[%swap3A_181] {strides = array<i32>} : memref<512xf32, #tpu.memory_space<vmem>>, vector<16xf32>,
    %swap3A_183 = vector.shape_cast %swap3A_182 : vector<16xf32> to vector<16xf32>
    %swap3A_184 = vector.shape_cast %broadcast_in_dim3A_180 : vector<16xf32> to vector<16xf32>
    tpu.vector_store %arg9[%swap3A_181], %swap3A_184 {strides = array<i32>} : memref<512xf32, #tpu.memory_space<vmem>>, vector<16xf32>,
    %broadcast_in_dim3A_185 = arith.constant 0.000000e+00 : f32
    %broadcast_in_dim3A_186 = vector.broadcast %broadcast_in_dim3A_185 : f32 to vector<16xf32>
    %swap3A_187 = arith.constant 240 : index
    %swap3A_188 = tpu.vector_load %arg9[%swap3A_187] {strides = array<i32>} : memref<512xf32, #tpu.memory_space<vmem>>, vector<16xf32>,
    %swap3A_189 = vector.shape_cast %swap3A_188 : vector<16xf32> to vector<16xf32>
    %swap3A_190 = vector.shape_cast %broadcast_in_dim3A_186 : vector<16xf32> to vector<16xf32>
    tpu.vector_store %arg9[%swap3A_187], %swap3A_190 {strides = array<i32>} : memref<512xf32, #tpu.memory_space<vmem>>, vector<16xf32>,
    %broadcast_in_dim3A_191 = arith.constant 0.000000e+00 : f32
    %broadcast_in_dim3A_192 = vector.broadcast %broadcast_in_dim3A_191 : f32 to vector<16xf32>
    %swap3A_193 = arith.constant 256 : index
    %swap3A_194 = tpu.vector_load %arg9[%swap3A_193] {strides = array<i32>} : memref<512xf32, #tpu.memory_space<vmem>>, vector<16xf32>,
    %swap3A_195 = vector.shape_cast %swap3A_194 : vector<16xf32> to vector<16xf32>
    %swap3A_196 = vector.shape_cast %broadcast_in_dim3A_192 : vector<16xf32> to vector<16xf32>
    tpu.vector_store %arg9[%swap3A_193], %swap3A_196 {strides = array<i32>} : memref<512xf32, #tpu.memory_space<vmem>>, vector<16xf32>,
    %broadcast_in_dim3A_197 = arith.constant 0.000000e+00 : f32
    %broadcast_in_dim3A_198 = vector.broadcast %broadcast_in_dim3A_197 : f32 to vector<16xf32>
    %swap3A_199 = arith.constant 272 : index
    %swap3A_200 = tpu.vector_load %arg9[%swap3A_199] {strides = array<i32>} : memref<512xf32, #tpu.memory_space<vmem>>, vector<16xf32>,
    %swap3A_201 = vector.shape_cast %swap3A_200 : vector<16xf32> to vector<16xf32>
    %swap3A_202 = vector.shape_cast %broadcast_in_dim3A_198 : vector<16xf32> to vector<16xf32>
    tpu.vector_store %arg9[%swap3A_199], %swap3A_202 {strides = array<i32>} : memref<512xf32, #tpu.memory_space<vmem>>, vector<16xf32>,
    %broadcast_in_dim3A_203 = arith.constant 0.000000e+00 : f32
    %broadcast_in_dim3A_204 = vector.broadcast %broadcast_in_dim3A_203 : f32 to vector<16xf32>
    %swap3A_205 = arith.constant 288 : index
    %swap3A_206 = tpu.vector_load %arg9[%swap3A_205] {strides = array<i32>} : memref<512xf32, #tpu.memory_space<vmem>>, vector<16xf32>,
    %swap3A_207 = vector.shape_cast %swap3A_206 : vector<16xf32> to vector<16xf32>
    %swap3A_208 = vector.shape_cast %broadcast_in_dim3A_204 : vector<16xf32> to vector<16xf32>
    tpu.vector_store %arg9[%swap3A_205], %swap3A_208 {strides = array<i32>} : memref<512xf32, #tpu.memory_space<vmem>>, vector<16xf32>,
    %broadcast_in_dim3A_209 = arith.constant 0.000000e+00 : f32
    %broadcast_in_dim3A_210 = vector.broadcast %broadcast_in_dim3A_209 : f32 to vector<16xf32>
    %swap3A_211 = arith.constant 304 : index
    %swap3A_212 = tpu.vector_load %arg9[%swap3A_211] {strides = array<i32>} : memref<512xf32, #tpu.memory_space<vmem>>, vector<16xf32>,
    %swap3A_213 = vector.shape_cast %swap3A_212 : vector<16xf32> to vector<16xf32>
    %swap3A_214 = vector.shape_cast %broadcast_in_dim3A_210 : vector<16xf32> to vector<16xf32>
    tpu.vector_store %arg9[%swap3A_211], %swap3A_214 {strides = array<i32>} : memref<512xf32, #tpu.memory_space<vmem>>, vector<16xf32>,
    %broadcast_in_dim3A_215 = arith.constant 0.000000e+00 : f32
    %broadcast_in_dim3A_216 = vector.broadcast %broadcast_in_dim3A_215 : f32 to vector<16xf32>
    %swap3A_217 = arith.constant 320 : index
    %swap3A_218 = tpu.vector_load %arg9[%swap3A_217] {strides = array<i32>} : memref<512xf32, #tpu.memory_space<vmem>>, vector<16xf32>,
    %swap3A_219 = vector.shape_cast %swap3A_218 : vector<16xf32> to vector<16xf32>
    %swap3A_220 = vector.shape_cast %broadcast_in_dim3A_216 : vector<16xf32> to vector<16xf32>
    tpu.vector_store %arg9[%swap3A_217], %swap3A_220 {strides = array<i32>} : memref<512xf32, #tpu.memory_space<vmem>>, vector<16xf32>,
    %broadcast_in_dim3A_221 = arith.constant 0.000000e+00 : f32
    %broadcast_in_dim3A_222 = vector.broadcast %broadcast_in_dim3A_221 : f32 to vector<16xf32>
    %swap3A_223 = arith.constant 336 : index
    %swap3A_224 = tpu.vector_load %arg9[%swap3A_223] {strides = array<i32>} : memref<512xf32, #tpu.memory_space<vmem>>, vector<16xf32>,
    %swap3A_225 = vector.shape_cast %swap3A_224 : vector<16xf32> to vector<16xf32>
    %swap3A_226 = vector.shape_cast %broadcast_in_dim3A_222 : vector<16xf32> to vector<16xf32>
    tpu.vector_store %arg9[%swap3A_223], %swap3A_226 {strides = array<i32>} : memref<512xf32, #tpu.memory_space<vmem>>, vector<16xf32>,
    %broadcast_in_dim3A_227 = arith.constant 0.000000e+00 : f32
    %broadcast_in_dim3A_228 = vector.broadcast %broadcast_in_dim3A_227 : f32 to vector<16xf32>
    %swap3A_229 = arith.constant 352 : index
    %swap3A_230 = tpu.vector_load %arg9[%swap3A_229] {strides = array<i32>} : memref<512xf32, #tpu.memory_space<vmem>>, vector<16xf32>,
    %swap3A_231 = vector.shape_cast %swap3A_230 : vector<16xf32> to vector<16xf32>
    %swap3A_232 = vector.shape_cast %broadcast_in_dim3A_228 : vector<16xf32> to vector<16xf32>
    tpu.vector_store %arg9[%swap3A_229], %swap3A_232 {strides = array<i32>} : memref<512xf32, #tpu.memory_space<vmem>>, vector<16xf32>,
    %broadcast_in_dim3A_233 = arith.constant 0.000000e+00 : f32
    %broadcast_in_dim3A_234 = vector.broadcast %broadcast_in_dim3A_233 : f32 to vector<16xf32>
    %swap3A_235 = arith.constant 368 : index
    %swap3A_236 = tpu.vector_load %arg9[%swap3A_235] {strides = array<i32>} : memref<512xf32, #tpu.memory_space<vmem>>, vector<16xf32>,
    %swap3A_237 = vector.shape_cast %swap3A_236 : vector<16xf32> to vector<16xf32>
    %swap3A_238 = vector.shape_cast %broadcast_in_dim3A_234 : vector<16xf32> to vector<16xf32>
    tpu.vector_store %arg9[%swap3A_235], %swap3A_238 {strides = array<i32>} : memref<512xf32, #tpu.memory_space<vmem>>, vector<16xf32>,
    %broadcast_in_dim3A_239 = arith.constant 0.000000e+00 : f32
    %broadcast_in_dim3A_240 = vector.broadcast %broadcast_in_dim3A_239 : f32 to vector<16xf32>
    %swap3A_241 = arith.constant 384 : index
    %swap3A_242 = tpu.vector_load %arg9[%swap3A_241] {strides = array<i32>} : memref<512xf32, #tpu.memory_space<vmem>>, vector<16xf32>,
    %swap3A_243 = vector.shape_cast %swap3A_242 : vector<16xf32> to vector<16xf32>
    %swap3A_244 = vector.shape_cast %broadcast_in_dim3A_240 : vector<16xf32> to vector<16xf32>
    tpu.vector_store %arg9[%swap3A_241], %swap3A_244 {strides = array<i32>} : memref<512xf32, #tpu.memory_space<vmem>>, vector<16xf32>,
    %broadcast_in_dim3A_245 = arith.constant 0.000000e+00 : f32
    %broadcast_in_dim3A_246 = vector.broadcast %broadcast_in_dim3A_245 : f32 to vector<16xf32>
    %swap3A_247 = arith.constant 400 : index
    %swap3A_248 = tpu.vector_load %arg9[%swap3A_247] {strides = array<i32>} : memref<512xf32, #tpu.memory_space<vmem>>, vector<16xf32>,
    %swap3A_249 = vector.shape_cast %swap3A_248 : vector<16xf32> to vector<16xf32>
    %swap3A_250 = vector.shape_cast %broadcast_in_dim3A_246 : vector<16xf32> to vector<16xf32>
    tpu.vector_store %arg9[%swap3A_247], %swap3A_250 {strides = array<i32>} : memref<512xf32, #tpu.memory_space<vmem>>, vector<16xf32>,
    %broadcast_in_dim3A_251 = arith.constant 0.000000e+00 : f32
    %broadcast_in_dim3A_252 = vector.broadcast %broadcast_in_dim3A_251 : f32 to vector<16xf32>
    %swap3A_253 = arith.constant 416 : index
    %swap3A_254 = tpu.vector_load %arg9[%swap3A_253] {strides = array<i32>} : memref<512xf32, #tpu.memory_space<vmem>>, vector<16xf32>,
    %swap3A_255 = vector.shape_cast %swap3A_254 : vector<16xf32> to vector<16xf32>
    %swap3A_256 = vector.shape_cast %broadcast_in_dim3A_252 : vector<16xf32> to vector<16xf32>
    tpu.vector_store %arg9[%swap3A_253], %swap3A_256 {strides = array<i32>} : memref<512xf32, #tpu.memory_space<vmem>>, vector<16xf32>,
    %broadcast_in_dim3A_257 = arith.constant 0.000000e+00 : f32
    %broadcast_in_dim3A_258 = vector.broadcast %broadcast_in_dim3A_257 : f32 to vector<16xf32>
    %swap3A_259 = arith.constant 432 : index
    %swap3A_260 = tpu.vector_load %arg9[%swap3A_259] {strides = array<i32>} : memref<512xf32, #tpu.memory_space<vmem>>, vector<16xf32>,
    %swap3A_261 = vector.shape_cast %swap3A_260 : vector<16xf32> to vector<16xf32>
    %swap3A_262 = vector.shape_cast %broadcast_in_dim3A_258 : vector<16xf32> to vector<16xf32>
    tpu.vector_store %arg9[%swap3A_259], %swap3A_262 {strides = array<i32>} : memref<512xf32, #tpu.memory_space<vmem>>, vector<16xf32>,
    %broadcast_in_dim3A_263 = arith.constant 0.000000e+00 : f32
    %broadcast_in_dim3A_264 = vector.broadcast %broadcast_in_dim3A_263 : f32 to vector<16xf32>
    %swap3A_265 = arith.constant 448 : index
    %swap3A_266 = tpu.vector_load %arg9[%swap3A_265] {strides = array<i32>} : memref<512xf32, #tpu.memory_space<vmem>>, vector<16xf32>,
    %swap3A_267 = vector.shape_cast %swap3A_266 : vector<16xf32> to vector<16xf32>
    %swap3A_268 = vector.shape_cast %broadcast_in_dim3A_264 : vector<16xf32> to vector<16xf32>
    tpu.vector_store %arg9[%swap3A_265], %swap3A_268 {strides = array<i32>} : memref<512xf32, #tpu.memory_space<vmem>>, vector<16xf32>,
    %broadcast_in_dim3A_269 = arith.constant 0.000000e+00 : f32
    %broadcast_in_dim3A_270 = vector.broadcast %broadcast_in_dim3A_269 : f32 to vector<16xf32>
    %swap3A_271 = arith.constant 464 : index
    %swap3A_272 = tpu.vector_load %arg9[%swap3A_271] {strides = array<i32>} : memref<512xf32, #tpu.memory_space<vmem>>, vector<16xf32>,
    %swap3A_273 = vector.shape_cast %swap3A_272 : vector<16xf32> to vector<16xf32>
    %swap3A_274 = vector.shape_cast %broadcast_in_dim3A_270 : vector<16xf32> to vector<16xf32>
    tpu.vector_store %arg9[%swap3A_271], %swap3A_274 {strides = array<i32>} : memref<512xf32, #tpu.memory_space<vmem>>, vector<16xf32>,
    %broadcast_in_dim3A_275 = arith.constant 0.000000e+00 : f32
    %broadcast_in_dim3A_276 = vector.broadcast %broadcast_in_dim3A_275 : f32 to vector<16xf32>
    %swap3A_277 = arith.constant 480 : index
    %swap3A_278 = tpu.vector_load %arg9[%swap3A_277] {strides = array<i32>} : memref<512xf32, #tpu.memory_space<vmem>>, vector<16xf32>,
    %swap3A_279 = vector.shape_cast %swap3A_278 : vector<16xf32> to vector<16xf32>
    %swap3A_280 = vector.shape_cast %broadcast_in_dim3A_276 : vector<16xf32> to vector<16xf32>
    tpu.vector_store %arg9[%swap3A_277], %swap3A_280 {strides = array<i32>} : memref<512xf32, #tpu.memory_space<vmem>>, vector<16xf32>,
    %broadcast_in_dim3A_281 = arith.constant 0.000000e+00 : f32
    %broadcast_in_dim3A_282 = vector.broadcast %broadcast_in_dim3A_281 : f32 to vector<16xf32>
    %swap3A_283 = arith.constant 496 : index
    %swap3A_284 = tpu.vector_load %arg9[%swap3A_283] {strides = array<i32>} : memref<512xf32, #tpu.memory_space<vmem>>, vector<16xf32>,
    %swap3A_285 = vector.shape_cast %swap3A_284 : vector<16xf32> to vector<16xf32>
    %swap3A_286 = vector.shape_cast %broadcast_in_dim3A_282 : vector<16xf32> to vector<16xf32>
    tpu.vector_store %arg9[%swap3A_283], %swap3A_286 {strides = array<i32>} : memref<512xf32, #tpu.memory_space<vmem>>, vector<16xf32>,
    %broadcast_in_dim3A_287 = arith.constant 1.000000e+00 : f32
    %broadcast_in_dim3A_288 = vector.broadcast %broadcast_in_dim3A_287 : f32 to vector<16xf32>
    %swap3A_289 = arith.constant 0 : index
    %swap3A_290 = tpu.vector_load %arg8[%swap3A_289] {strides = array<i32>} : memref<128xf32, #tpu.memory_space<vmem>>, vector<16xf32>,
    %swap3A_291 = vector.shape_cast %swap3A_290 : vector<16xf32> to vector<16xf32>
    %swap3A_292 = vector.shape_cast %broadcast_in_dim3A_288 : vector<16xf32> to vector<16xf32>
    tpu.vector_store %arg8[%swap3A_289], %swap3A_292 {strides = array<i32>} : memref<128xf32, #tpu.memory_space<vmem>>, vector<16xf32>,
    %broadcast_in_dim3A_293 = arith.constant 1.000000e+00 : f32
    %broadcast_in_dim3A_294 = vector.broadcast %broadcast_in_dim3A_293 : f32 to vector<16xf32>
    %swap3A_295 = arith.constant 16 : index
    %swap3A_296 = tpu.vector_load %arg8[%swap3A_295] {strides = array<i32>} : memref<128xf32, #tpu.memory_space<vmem>>, vector<16xf32>,
    %swap3A_297 = vector.shape_cast %swap3A_296 : vector<16xf32> to vector<16xf32>
    %swap3A_298 = vector.shape_cast %broadcast_in_dim3A_294 : vector<16xf32> to vector<16xf32>
    tpu.vector_store %arg8[%swap3A_295], %swap3A_298 {strides = array<i32>} : memref<128xf32, #tpu.memory_space<vmem>>, vector<16xf32>,
    %broadcast_in_dim3A_299 = arith.constant 1.000000e+00 : f32
    %broadcast_in_dim3A_300 = vector.broadcast %broadcast_in_dim3A_299 : f32 to vector<16xf32>
    %swap3A_301 = arith.constant 32 : index
    %swap3A_302 = tpu.vector_load %arg8[%swap3A_301] {strides = array<i32>} : memref<128xf32, #tpu.memory_space<vmem>>, vector<16xf32>,
    %swap3A_303 = vector.shape_cast %swap3A_302 : vector<16xf32> to vector<16xf32>
    %swap3A_304 = vector.shape_cast %broadcast_in_dim3A_300 : vector<16xf32> to vector<16xf32>
    tpu.vector_store %arg8[%swap3A_301], %swap3A_304 {strides = array<i32>} : memref<128xf32, #tpu.memory_space<vmem>>, vector<16xf32>,
    %broadcast_in_dim3A_305 = arith.constant 1.000000e+00 : f32
    %broadcast_in_dim3A_306 = vector.broadcast %broadcast_in_dim3A_305 : f32 to vector<16xf32>
    %swap3A_307 = arith.constant 48 : index
    %swap3A_308 = tpu.vector_load %arg8[%swap3A_307] {strides = array<i32>} : memref<128xf32, #tpu.memory_space<vmem>>, vector<16xf32>,
    %swap3A_309 = vector.shape_cast %swap3A_308 : vector<16xf32> to vector<16xf32>
    %swap3A_310 = vector.shape_cast %broadcast_in_dim3A_306 : vector<16xf32> to vector<16xf32>
    tpu.vector_store %arg8[%swap3A_307], %swap3A_310 {strides = array<i32>} : memref<128xf32, #tpu.memory_space<vmem>>, vector<16xf32>,
    %broadcast_in_dim3A_311 = arith.constant 1.000000e+00 : f32
    %broadcast_in_dim3A_312 = vector.broadcast %broadcast_in_dim3A_311 : f32 to vector<16xf32>
    %swap3A_313 = arith.constant 64 : index
    %swap3A_314 = tpu.vector_load %arg8[%swap3A_313] {strides = array<i32>} : memref<128xf32, #tpu.memory_space<vmem>>, vector<16xf32>,
    %swap3A_315 = vector.shape_cast %swap3A_314 : vector<16xf32> to vector<16xf32>
    %swap3A_316 = vector.shape_cast %broadcast_in_dim3A_312 : vector<16xf32> to vector<16xf32>
    tpu.vector_store %arg8[%swap3A_313], %swap3A_316 {strides = array<i32>} : memref<128xf32, #tpu.memory_space<vmem>>, vector<16xf32>,
    %broadcast_in_dim3A_317 = arith.constant 1.000000e+00 : f32
    %broadcast_in_dim3A_318 = vector.broadcast %broadcast_in_dim3A_317 : f32 to vector<16xf32>
    %swap3A_319 = arith.constant 80 : index
    %swap3A_320 = tpu.vector_load %arg8[%swap3A_319] {strides = array<i32>} : memref<128xf32, #tpu.memory_space<vmem>>, vector<16xf32>,
    %swap3A_321 = vector.shape_cast %swap3A_320 : vector<16xf32> to vector<16xf32>
    %swap3A_322 = vector.shape_cast %broadcast_in_dim3A_318 : vector<16xf32> to vector<16xf32>
    tpu.vector_store %arg8[%swap3A_319], %swap3A_322 {strides = array<i32>} : memref<128xf32, #tpu.memory_space<vmem>>, vector<16xf32>,
    %broadcast_in_dim3A_323 = arith.constant 1.000000e+00 : f32
    %broadcast_in_dim3A_324 = vector.broadcast %broadcast_in_dim3A_323 : f32 to vector<16xf32>
    %swap3A_325 = arith.constant 96 : index
    %swap3A_326 = tpu.vector_load %arg8[%swap3A_325] {strides = array<i32>} : memref<128xf32, #tpu.memory_space<vmem>>, vector<16xf32>,
    %swap3A_327 = vector.shape_cast %swap3A_326 : vector<16xf32> to vector<16xf32>
    %swap3A_328 = vector.shape_cast %broadcast_in_dim3A_324 : vector<16xf32> to vector<16xf32>
    tpu.vector_store %arg8[%swap3A_325], %swap3A_328 {strides = array<i32>} : memref<128xf32, #tpu.memory_space<vmem>>, vector<16xf32>,
    %broadcast_in_dim3A_329 = arith.constant 1.000000e+00 : f32
    %broadcast_in_dim3A_330 = vector.broadcast %broadcast_in_dim3A_329 : f32 to vector<16xf32>
    %swap3A_331 = arith.constant 112 : index
    %swap3A_332 = tpu.vector_load %arg8[%swap3A_331] {strides = array<i32>} : memref<128xf32, #tpu.memory_space<vmem>>, vector<16xf32>,
    %swap3A_333 = vector.shape_cast %swap3A_332 : vector<16xf32> to vector<16xf32>
    %swap3A_334 = vector.shape_cast %broadcast_in_dim3A_330 : vector<16xf32> to vector<16xf32>
    tpu.vector_store %arg8[%swap3A_331], %swap3A_334 {strides = array<i32>} : memref<128xf32, #tpu.memory_space<vmem>>, vector<16xf32>,
    %mul3A_335 = arith.constant 512 : i32
    %mul3A_336 = arith.muli %arg1, %mul3A_335 : i32
    "tpu.region"() ({
      %run_scoped3A_345 = tpu.sem_alloc : memref<!tpu.dma_semaphore, #tpu.memory_space<semaphore_mem>>
      %dma_start3A_346 = tpu.memref_slice %arg11[%mul3A_336] : memref<8192xf32, #tpu.memory_space<vmem_shared>> -> memref<512xf32, #tpu.memory_space<vmem_shared>>
      %dma_start3A_347 = tpu.memref_slice %arg11[%mul3A_336] : memref<8192xf32, #tpu.memory_space<vmem_shared>> -> memref<512xf32, #tpu.memory_space<vmem_shared>>
      tpu.enqueue_dma source(%arg9 : memref<512xf32, #tpu.memory_space<vmem>>) target(%dma_start3A_347 : memref<512xf32, #tpu.memory_space<vmem_shared>>) target_semaphore(%run_scoped3A_345 : memref<!tpu.dma_semaphore, #tpu.memory_space<semaphore_mem>>)
      %dma_wait3A_348 = tpu.memref_slice %arg11[%mul3A_336] : memref<8192xf32, #tpu.memory_space<vmem_shared>> -> memref<512xf32, #tpu.memory_space<vmem_shared>>
      %dma_wait3A_349 = tpu.memref_slice %arg11[%mul3A_336] : memref<8192xf32, #tpu.memory_space<vmem_shared>> -> memref<512xf32, #tpu.memory_space<vmem_shared>>
      tpu.wait_dma2 semaphore(%run_scoped3A_345 : memref<!tpu.dma_semaphore, #tpu.memory_space<semaphore_mem>>) src(%arg9 : memref<512xf32, #tpu.memory_space<vmem>>) dst(%dma_wait3A_349 : memref<512xf32, #tpu.memory_space<vmem_shared>>)
      tpu.yield
    }) : () -> ()
    %barrier3A = arith.constant 0 : index
    tpu.barrier barrier_id(%barrier3A)
    %run_scoped3A = arith.constant 0 : i32
    "tpu.region"() ({
      %run_scoped3A_345 = tpu.sem_alloc : memref<!tpu.dma_semaphore, #tpu.memory_space<semaphore_mem>>
      %dma_start3A_346 = arith.constant 0 : i32
      %dma_start3A_347 = tpu.memref_slice %arg6[%run_scoped3A, %dma_start3A_346] : memref<4x128xi32, #tpu.memory_space<vmem>> -> memref<1x128xi32, #tpu.memory_space<vmem>>
      %dma_start3A_348 = tpu.memref_squeeze %dma_start3A_347 : memref<1x128xi32, #tpu.memory_space<vmem>> -> memref<128xi32, #tpu.memory_space<vmem>>
      %dma_start3A_349 = arith.constant 0 : i32
      %dma_start3A_350 = tpu.memref_slice %arg11[%dma_start3A_349] : memref<8192xf32, #tpu.memory_space<vmem_shared>> -> memref<8192xf32, #tpu.memory_space<vmem_shared>>
      tpu.enqueue_indirect_dma source(%arg8 : memref<128xf32, #tpu.memory_space<vmem>>) target(%dma_start3A_350 : memref<8192xf32, #tpu.memory_space<vmem_shared>>) offsets(%dma_start3A_348 : memref<128xi32, #tpu.memory_space<vmem>>) semaphore(%run_scoped3A_345 : memref<!tpu.dma_semaphore, #tpu.memory_space<semaphore_mem>>) {add = true}
      %dma_wait3A_351 = arith.constant 0 : i32
      %dma_wait3A_352 = tpu.memref_slice %arg6[%run_scoped3A, %dma_wait3A_351] : memref<4x128xi32, #tpu.memory_space<vmem>> -> memref<1x128xi32, #tpu.memory_space<vmem>>
      %dma_wait3A_353 = tpu.memref_squeeze %dma_wait3A_352 : memref<1x128xi32, #tpu.memory_space<vmem>> -> memref<128xi32, #tpu.memory_space<vmem>>
      %dma_wait3A_354 = arith.constant 0 : i32
      %dma_wait3A_355 = tpu.memref_slice %arg11[%dma_wait3A_354] : memref<8192xf32, #tpu.memory_space<vmem_shared>> -> memref<8192xf32, #tpu.memory_space<vmem_shared>>
      tpu.wait_indirect_dma semaphore(%run_scoped3A_345 : memref<!tpu.dma_semaphore, #tpu.memory_space<semaphore_mem>>) src(%arg8 : memref<128xf32, #tpu.memory_space<vmem>>) dst(%dma_wait3A_355 : memref<8192xf32, #tpu.memory_space<vmem_shared>>)
      tpu.yield
    }) : () -> ()
    %run_scoped3A_337 = arith.constant 1 : i32
    "tpu.region"() ({
      %run_scoped3A_345 = tpu.sem_alloc : memref<!tpu.dma_semaphore, #tpu.memory_space<semaphore_mem>>
      %dma_start3A_346 = arith.constant 0 : i32
      %dma_start3A_347 = tpu.memref_slice %arg6[%run_scoped3A_337, %dma_start3A_346] : memref<4x128xi32, #tpu.memory_space<vmem>> -> memref<1x128xi32, #tpu.memory_space<vmem>>
      %dma_start3A_348 = tpu.memref_squeeze %dma_start3A_347 : memref<1x128xi32, #tpu.memory_space<vmem>> -> memref<128xi32, #tpu.memory_space<vmem>>
      %dma_start3A_349 = arith.constant 0 : i32
      %dma_start3A_350 = tpu.memref_slice %arg11[%dma_start3A_349] : memref<8192xf32, #tpu.memory_space<vmem_shared>> -> memref<8192xf32, #tpu.memory_space<vmem_shared>>
      tpu.enqueue_indirect_dma source(%arg8 : memref<128xf32, #tpu.memory_space<vmem>>) target(%dma_start3A_350 : memref<8192xf32, #tpu.memory_space<vmem_shared>>) offsets(%dma_start3A_348 : memref<128xi32, #tpu.memory_space<vmem>>) semaphore(%run_scoped3A_345 : memref<!tpu.dma_semaphore, #tpu.memory_space<semaphore_mem>>) {add = true}
      %dma_wait3A_351 = arith.constant 0 : i32
      %dma_wait3A_352 = tpu.memref_slice %arg6[%run_scoped3A_337, %dma_wait3A_351] : memref<4x128xi32, #tpu.memory_space<vmem>> -> memref<1x128xi32, #tpu.memory_space<vmem>>
      %dma_wait3A_353 = tpu.memref_squeeze %dma_wait3A_352 : memref<1x128xi32, #tpu.memory_space<vmem>> -> memref<128xi32, #tpu.memory_space<vmem>>
      %dma_wait3A_354 = arith.constant 0 : i32
      %dma_wait3A_355 = tpu.memref_slice %arg11[%dma_wait3A_354] : memref<8192xf32, #tpu.memory_space<vmem_shared>> -> memref<8192xf32, #tpu.memory_space<vmem_shared>>
      tpu.wait_indirect_dma semaphore(%run_scoped3A_345 : memref<!tpu.dma_semaphore, #tpu.memory_space<semaphore_mem>>) src(%arg8 : memref<128xf32, #tpu.memory_space<vmem>>) dst(%dma_wait3A_355 : memref<8192xf32, #tpu.memory_space<vmem_shared>>)
      tpu.yield
    }) : () -> ()
    %run_scoped3A_338 = arith.constant 2 : i32
    "tpu.region"() ({
      %run_scoped3A_345 = tpu.sem_alloc : memref<!tpu.dma_semaphore, #tpu.memory_space<semaphore_mem>>
      %dma_start3A_346 = arith.constant 0 : i32
      %dma_start3A_347 = tpu.memref_slice %arg6[%run_scoped3A_338, %dma_start3A_346] : memref<4x128xi32, #tpu.memory_space<vmem>> -> memref<1x128xi32, #tpu.memory_space<vmem>>
      %dma_start3A_348 = tpu.memref_squeeze %dma_start3A_347 : memref<1x128xi32, #tpu.memory_space<vmem>> -> memref<128xi32, #tpu.memory_space<vmem>>
      %dma_start3A_349 = arith.constant 0 : i32
      %dma_start3A_350 = tpu.memref_slice %arg11[%dma_start3A_349] : memref<8192xf32, #tpu.memory_space<vmem_shared>> -> memref<8192xf32, #tpu.memory_space<vmem_shared>>
      tpu.enqueue_indirect_dma source(%arg8 : memref<128xf32, #tpu.memory_space<vmem>>) target(%dma_start3A_350 : memref<8192xf32, #tpu.memory_space<vmem_shared>>) offsets(%dma_start3A_348 : memref<128xi32, #tpu.memory_space<vmem>>) semaphore(%run_scoped3A_345 : memref<!tpu.dma_semaphore, #tpu.memory_space<semaphore_mem>>) {add = true}
      %dma_wait3A_351 = arith.constant 0 : i32
      %dma_wait3A_352 = tpu.memref_slice %arg6[%run_scoped3A_338, %dma_wait3A_351] : memref<4x128xi32, #tpu.memory_space<vmem>> -> memref<1x128xi32, #tpu.memory_space<vmem>>
      %dma_wait3A_353 = tpu.memref_squeeze %dma_wait3A_352 : memref<1x128xi32, #tpu.memory_space<vmem>> -> memref<128xi32, #tpu.memory_space<vmem>>
      %dma_wait3A_354 = arith.constant 0 : i32
      %dma_wait3A_355 = tpu.memref_slice %arg11[%dma_wait3A_354] : memref<8192xf32, #tpu.memory_space<vmem_shared>> -> memref<8192xf32, #tpu.memory_space<vmem_shared>>
      tpu.wait_indirect_dma semaphore(%run_scoped3A_345 : memref<!tpu.dma_semaphore, #tpu.memory_space<semaphore_mem>>) src(%arg8 : memref<128xf32, #tpu.memory_space<vmem>>) dst(%dma_wait3A_355 : memref<8192xf32, #tpu.memory_space<vmem_shared>>)
      tpu.yield
    }) : () -> ()
    %run_scoped3A_339 = arith.constant 3 : i32
    "tpu.region"() ({
      %run_scoped3A_345 = tpu.sem_alloc : memref<!tpu.dma_semaphore, #tpu.memory_space<semaphore_mem>>
      %dma_start3A_346 = arith.constant 0 : i32
      %dma_start3A_347 = tpu.memref_slice %arg6[%run_scoped3A_339, %dma_start3A_346] : memref<4x128xi32, #tpu.memory_space<vmem>> -> memref<1x128xi32, #tpu.memory_space<vmem>>
      %dma_start3A_348 = tpu.memref_squeeze %dma_start3A_347 : memref<1x128xi32, #tpu.memory_space<vmem>> -> memref<128xi32, #tpu.memory_space<vmem>>
      %dma_start3A_349 = arith.constant 0 : i32
      %dma_start3A_350 = tpu.memref_slice %arg11[%dma_start3A_349] : memref<8192xf32, #tpu.memory_space<vmem_shared>> -> memref<8192xf32, #tpu.memory_space<vmem_shared>>
      tpu.enqueue_indirect_dma source(%arg8 : memref<128xf32, #tpu.memory_space<vmem>>) target(%dma_start3A_350 : memref<8192xf32, #tpu.memory_space<vmem_shared>>) offsets(%dma_start3A_348 : memref<128xi32, #tpu.memory_space<vmem>>) semaphore(%run_scoped3A_345 : memref<!tpu.dma_semaphore, #tpu.memory_space<semaphore_mem>>) {add = true}
      %dma_wait3A_351 = arith.constant 0 : i32
      %dma_wait3A_352 = tpu.memref_slice %arg6[%run_scoped3A_339, %dma_wait3A_351] : memref<4x128xi32, #tpu.memory_space<vmem>> -> memref<1x128xi32, #tpu.memory_space<vmem>>
      %dma_wait3A_353 = tpu.memref_squeeze %dma_wait3A_352 : memref<1x128xi32, #tpu.memory_space<vmem>> -> memref<128xi32, #tpu.memory_space<vmem>>
      %dma_wait3A_354 = arith.constant 0 : i32
      %dma_wait3A_355 = tpu.memref_slice %arg11[%dma_wait3A_354] : memref<8192xf32, #tpu.memory_space<vmem_shared>> -> memref<8192xf32, #tpu.memory_space<vmem_shared>>
      tpu.wait_indirect_dma semaphore(%run_scoped3A_345 : memref<!tpu.dma_semaphore, #tpu.memory_space<semaphore_mem>>) src(%arg8 : memref<128xf32, #tpu.memory_space<vmem>>) dst(%dma_wait3A_355 : memref<8192xf32, #tpu.memory_space<vmem_shared>>)
      tpu.yield
    }) : () -> ()
    %barrier3A_340 = arith.constant 0 : index
    tpu.barrier barrier_id(%barrier3A_340)
    %mul3A_341 = arith.constant 512 : i32
    %mul3A_342 = arith.muli %arg1, %mul3A_341 : i32
    %mul3A_343 = arith.constant 512 : i32
    %mul3A_344 = arith.muli %arg1, %mul3A_343 : i32
    "tpu.region"() ({
      %run_scoped3A_345 = tpu.sem_alloc : memref<!tpu.dma_semaphore, #tpu.memory_space<semaphore_mem>>
      %dma_start3A_346 = tpu.memref_slice %arg5[%arg0, %mul3A_344] : memref<2x8192xf32, #tpu.memory_space<hbm>> -> memref<1x512xf32, #tpu.memory_space<hbm>>
      %dma_start3A_347 = tpu.memref_squeeze %dma_start3A_346 : memref<1x512xf32, #tpu.memory_space<hbm>> -> memref<512xf32, #tpu.memory_space<hbm>>
      %dma_start3A_348 = tpu.memref_slice %arg11[%mul3A_342] : memref<8192xf32, #tpu.memory_space<vmem_shared>> -> memref<512xf32, #tpu.memory_space<vmem_shared>>
      tpu.enqueue_dma source(%dma_start3A_348 : memref<512xf32, #tpu.memory_space<vmem_shared>>) target(%dma_start3A_347 : memref<512xf32, #tpu.memory_space<hbm>>) target_semaphore(%run_scoped3A_345 : memref<!tpu.dma_semaphore, #tpu.memory_space<semaphore_mem>>)
      %dma_wait3A_349 = tpu.memref_slice %arg5[%arg0, %mul3A_344] : memref<2x8192xf32, #tpu.memory_space<hbm>> -> memref<1x512xf32, #tpu.memory_space<hbm>>
      %dma_wait3A_350 = tpu.memref_squeeze %dma_wait3A_349 : memref<1x512xf32, #tpu.memory_space<hbm>> -> memref<512xf32, #tpu.memory_space<hbm>>
      %dma_wait3A_351 = tpu.memref_slice %arg11[%mul3A_342] : memref<8192xf32, #tpu.memory_space<vmem_shared>> -> memref<512xf32, #tpu.memory_space<vmem_shared>>
      tpu.wait_dma2 semaphore(%run_scoped3A_345 : memref<!tpu.dma_semaphore, #tpu.memory_space<semaphore_mem>>) src(%dma_wait3A_351 : memref<512xf32, #tpu.memory_space<vmem_shared>>) dst(%dma_wait3A_350 : memref<512xf32, #tpu.memory_space<hbm>>)
      tpu.yield
    }) : () -> ()
    return
  }
}

module attributes {stable_mosaic.version = 14 : i64} {
  func.func @_argmin_body(%arg0: i32, %arg1: memref<512x64xf32, #tpu.memory_space<vmem>>, %arg2: memref<512x1xf32, #tpu.memory_space<vmem>>, %arg3: memref<8192x64xf32, #tpu.memory_space<vmem>>, %arg4: memref<1x8192xf32, #tpu.memory_space<vmem>>, %arg5: memref<1x4x128xi32, #tpu.memory_space<vmem>>, %arg6: memref<1x1x1xf32, #tpu.memory_space<vmem>>) attributes {dimension_semantics = [#tpu.dimension_semantics<arbitrary>], iteration_bounds = array<i64: 32>, scalar_prefetch = 0 : i64, scratch_operands = 0 : i64, tpu.core_type = #tpu.core_type<tc>, window_params = [{transform_indices = @transform_0, window_bounds = array<i64: 512, 64>}, {transform_indices = @transform_1, window_bounds = array<i64: 512, 1>}, {pipeline_mode = #tpu.pipeline_mode<synchronous>, transform_indices = @transform_2, window_bounds = array<i64: 8192, 64>}, {pipeline_mode = #tpu.pipeline_mode<synchronous>, transform_indices = @transform_3, window_bounds = array<i64: 1, 8192>}, {transform_indices = @transform_4, window_bounds = array<i64: 1, 4, 128>}, {transform_indices = @transform_5, window_bounds = array<i64: 1, 1, 1>}]} {
    %get3A = arith.constant 0 : index
    %get3A_0 = arith.constant 0 : index
    %get3A_1 = vector.load %arg1[%get3A, %get3A_0] : memref<512x64xf32, #tpu.memory_space<vmem>>, vector<512x64xf32>
    %mul3A = arith.constant -2.000000e+00 : f32
    %mul3A_2 = vector.broadcast %mul3A : f32 to vector<512x64xf32>
    %mul3A_3 = arith.mulf %get3A_1, %mul3A_2 : vector<512x64xf32>
    %get3A_4 = arith.constant 0 : index
    %get3A_5 = arith.constant 0 : index
    %get3A_6 = vector.load %arg2[%get3A_4, %get3A_5] : memref<512x1xf32, #tpu.memory_space<vmem>>, vector<512x1xf32>
    %get3A_7 = arith.constant 0 : index
    %get3A_8 = arith.constant 0 : index
    %get3A_9 = vector.load %arg3[%get3A_7, %get3A_8] : memref<8192x64xf32, #tpu.memory_space<vmem>>, vector<2048x64xf32>
    %dot_general3A = arith.constant dense<0.000000e+00> : vector<512x2048xf32>
    %dot_general3A_10 = tpu.matmul %mul3A_3, %get3A_9, %dot_general3A {dimension_numbers = #tpu.dot_dimension_numbers<[1], [1], [0], [0], [0, 0, 1, 0], [], []>, transpose_lhs_hint = false} : vector<512x64xf32>, vector<2048x64xf32>, vector<512x2048xf32> -> vector<512x2048xf32>
    %add3A = vector.broadcast %get3A_6 : vector<512x1xf32> to vector<512x2048xf32>
    %add3A_11 = arith.addf %add3A, %dot_general3A_10 : vector<512x2048xf32>
    %get3A_12 = arith.constant 0 : index
    %get3A_13 = arith.constant 0 : index
    %get3A_14 = vector.load %arg4[%get3A_12, %get3A_13] : memref<1x8192xf32, #tpu.memory_space<vmem>>, vector<1x2048xf32>
    %add3A_15 = vector.broadcast %get3A_14 : vector<1x2048xf32> to vector<512x2048xf32>
    %add3A_16 = arith.addf %add3A_11, %add3A_15 : vector<512x2048xf32>
    %reduce_min3A = arith.constant dense<0x7F800000> : vector<512xf32>
    %reduce_min3A_17 = vector.multi_reduction <minimumf>, %add3A_16, %reduce_min3A [1] : vector<512x2048xf32> to vector<512xf32>
    %broadcast_in_dim3A = vector.shape_cast %reduce_min3A_17 : vector<512xf32> to vector<512x1xf32>
    %iota3A = tpu.iota {dimensions = array<i32: 1>} : vector<512x2048xi32>
    %eq3A = vector.broadcast %broadcast_in_dim3A : vector<512x1xf32> to vector<512x2048xf32>
    %eq3A_18 = arith.cmpf oeq, %add3A_16, %eq3A : vector<512x2048xf32>
    %jit3A = arith.constant 1073741824 : i32
    %broadcast_in_dim3A_19 = vector.broadcast %jit3A : i32 to vector<512x2048xi32>
    %select_n3A = arith.select %eq3A_18, %iota3A, %broadcast_in_dim3A_19 : vector<512x2048xi1>, vector<512x2048xi32>
    %reduce_min3A_20 = arith.constant dense<2147483647> : vector<512xi32>
    %reduce_min3A_21 = vector.multi_reduction <minsi>, %select_n3A, %reduce_min3A_20 [1] : vector<512x2048xi32> to vector<512xi32>
    %broadcast_in_dim3A_22 = vector.shape_cast %reduce_min3A_21 : vector<512xi32> to vector<512x1xi32>
    %add3A_23 = arith.constant 0 : i32
    %add3A_24 = vector.broadcast %add3A_23 : i32 to vector<512x1xi32>
    %add3A_25 = arith.addi %broadcast_in_dim3A_22, %add3A_24 : vector<512x1xi32>
    %get3A_26 = arith.constant 2048 : index
    %get3A_27 = arith.constant 0 : index
    %get3A_28 = vector.load %arg3[%get3A_26, %get3A_27] : memref<8192x64xf32, #tpu.memory_space<vmem>>, vector<2048x64xf32>
    %dot_general3A_29 = arith.constant dense<0.000000e+00> : vector<512x2048xf32>
    %dot_general3A_30 = tpu.matmul %mul3A_3, %get3A_28, %dot_general3A_29 {dimension_numbers = #tpu.dot_dimension_numbers<[1], [1], [0], [0], [0, 0, 1, 0], [], []>, transpose_lhs_hint = false} : vector<512x64xf32>, vector<2048x64xf32>, vector<512x2048xf32> -> vector<512x2048xf32>
    %add3A_31 = vector.broadcast %get3A_6 : vector<512x1xf32> to vector<512x2048xf32>
    %add3A_32 = arith.addf %add3A_31, %dot_general3A_30 : vector<512x2048xf32>
    %get3A_33 = arith.constant 0 : index
    %get3A_34 = arith.constant 2048 : index
    %get3A_35 = vector.load %arg4[%get3A_33, %get3A_34] : memref<1x8192xf32, #tpu.memory_space<vmem>>, vector<1x2048xf32>
    %add3A_36 = vector.broadcast %get3A_35 : vector<1x2048xf32> to vector<512x2048xf32>
    %add3A_37 = arith.addf %add3A_32, %add3A_36 : vector<512x2048xf32>
    %reduce_min3A_38 = arith.constant dense<0x7F800000> : vector<512xf32>
    %reduce_min3A_39 = vector.multi_reduction <minimumf>, %add3A_37, %reduce_min3A_38 [1] : vector<512x2048xf32> to vector<512xf32>
    %broadcast_in_dim3A_40 = vector.shape_cast %reduce_min3A_39 : vector<512xf32> to vector<512x1xf32>
    %iota3A_41 = tpu.iota {dimensions = array<i32: 1>} : vector<512x2048xi32>
    %eq3A_42 = vector.broadcast %broadcast_in_dim3A_40 : vector<512x1xf32> to vector<512x2048xf32>
    %eq3A_43 = arith.cmpf oeq, %add3A_37, %eq3A_42 : vector<512x2048xf32>
    %jit3A_44 = arith.constant 1073741824 : i32
    %broadcast_in_dim3A_45 = vector.broadcast %jit3A_44 : i32 to vector<512x2048xi32>
    %select_n3A_46 = arith.select %eq3A_43, %iota3A_41, %broadcast_in_dim3A_45 : vector<512x2048xi1>, vector<512x2048xi32>
    %reduce_min3A_47 = arith.constant dense<2147483647> : vector<512xi32>
    %reduce_min3A_48 = vector.multi_reduction <minsi>, %select_n3A_46, %reduce_min3A_47 [1] : vector<512x2048xi32> to vector<512xi32>
    %broadcast_in_dim3A_49 = vector.shape_cast %reduce_min3A_48 : vector<512xi32> to vector<512x1xi32>
    %add3A_50 = arith.constant 2048 : i32
    %add3A_51 = vector.broadcast %add3A_50 : i32 to vector<512x1xi32>
    %add3A_52 = arith.addi %broadcast_in_dim3A_49, %add3A_51 : vector<512x1xi32>
    %lt3A = arith.cmpf olt, %broadcast_in_dim3A_40, %broadcast_in_dim3A : vector<512x1xf32>
    %select_n3A_53 = arith.select %lt3A, %broadcast_in_dim3A_40, %broadcast_in_dim3A : vector<512x1xi1>, vector<512x1xf32>
    %select_n3A_54 = arith.select %lt3A, %add3A_52, %add3A_25 : vector<512x1xi1>, vector<512x1xi32>
    %convert_element_type3A = arith.truncf %select_n3A_53 : vector<512x1xf32> to vector<512x1xbf16>
    %convert_element_type3A_55 = arith.extf %convert_element_type3A : vector<512x1xbf16> to vector<512x1xf32>
    %get3A_56 = arith.constant 4096 : index
    %get3A_57 = arith.constant 0 : index
    %get3A_58 = vector.load %arg3[%get3A_56, %get3A_57] : memref<8192x64xf32, #tpu.memory_space<vmem>>, vector<2048x64xf32>
    %dot_general3A_59 = arith.constant dense<0.000000e+00> : vector<512x2048xf32>
    %dot_general3A_60 = tpu.matmul %mul3A_3, %get3A_58, %dot_general3A_59 {dimension_numbers = #tpu.dot_dimension_numbers<[1], [1], [0], [0], [0, 0, 1, 0], [], []>, transpose_lhs_hint = false} : vector<512x64xf32>, vector<2048x64xf32>, vector<512x2048xf32> -> vector<512x2048xf32>
    %add3A_61 = vector.broadcast %get3A_6 : vector<512x1xf32> to vector<512x2048xf32>
    %add3A_62 = arith.addf %add3A_61, %dot_general3A_60 : vector<512x2048xf32>
    %get3A_63 = arith.constant 0 : index
    %get3A_64 = arith.constant 4096 : index
    %get3A_65 = vector.load %arg4[%get3A_63, %get3A_64] : memref<1x8192xf32, #tpu.memory_space<vmem>>, vector<1x2048xf32>
    %add3A_66 = vector.broadcast %get3A_65 : vector<1x2048xf32> to vector<512x2048xf32>
    %add3A_67 = arith.addf %add3A_62, %add3A_66 : vector<512x2048xf32>
    %reduce_min3A_68 = arith.constant dense<0x7F800000> : vector<512xf32>
    %reduce_min3A_69 = vector.multi_reduction <minimumf>, %add3A_67, %reduce_min3A_68 [1] : vector<512x2048xf32> to vector<512xf32>
    %broadcast_in_dim3A_70 = vector.shape_cast %reduce_min3A_69 : vector<512xf32> to vector<512x1xf32>
    %iota3A_71 = tpu.iota {dimensions = array<i32: 1>} : vector<512x2048xi32>
    %eq3A_72 = vector.broadcast %broadcast_in_dim3A_70 : vector<512x1xf32> to vector<512x2048xf32>
    %eq3A_73 = arith.cmpf oeq, %add3A_67, %eq3A_72 : vector<512x2048xf32>
    %jit3A_74 = arith.constant 1073741824 : i32
    %broadcast_in_dim3A_75 = vector.broadcast %jit3A_74 : i32 to vector<512x2048xi32>
    %select_n3A_76 = arith.select %eq3A_73, %iota3A_71, %broadcast_in_dim3A_75 : vector<512x2048xi1>, vector<512x2048xi32>
    %reduce_min3A_77 = arith.constant dense<2147483647> : vector<512xi32>
    %reduce_min3A_78 = vector.multi_reduction <minsi>, %select_n3A_76, %reduce_min3A_77 [1] : vector<512x2048xi32> to vector<512xi32>
    %broadcast_in_dim3A_79 = vector.shape_cast %reduce_min3A_78 : vector<512xi32> to vector<512x1xi32>
    %add3A_80 = arith.constant 4096 : i32
    %add3A_81 = vector.broadcast %add3A_80 : i32 to vector<512x1xi32>
    %add3A_82 = arith.addi %broadcast_in_dim3A_79, %add3A_81 : vector<512x1xi32>
    %get3A_83 = arith.constant 6144 : index
    %get3A_84 = arith.constant 0 : index
    %get3A_85 = vector.load %arg3[%get3A_83, %get3A_84] : memref<8192x64xf32, #tpu.memory_space<vmem>>, vector<2048x64xf32>
    %dot_general3A_86 = arith.constant dense<0.000000e+00> : vector<512x2048xf32>
    %dot_general3A_87 = tpu.matmul %mul3A_3, %get3A_85, %dot_general3A_86 {dimension_numbers = #tpu.dot_dimension_numbers<[1], [1], [0], [0], [0, 0, 1, 0], [], []>, transpose_lhs_hint = false} : vector<512x64xf32>, vector<2048x64xf32>, vector<512x2048xf32> -> vector<512x2048xf32>
    %add3A_88 = vector.broadcast %get3A_6 : vector<512x1xf32> to vector<512x2048xf32>
    %add3A_89 = arith.addf %add3A_88, %dot_general3A_87 : vector<512x2048xf32>
    %get3A_90 = arith.constant 0 : index
    %get3A_91 = arith.constant 6144 : index
    %get3A_92 = vector.load %arg4[%get3A_90, %get3A_91] : memref<1x8192xf32, #tpu.memory_space<vmem>>, vector<1x2048xf32>
    %add3A_93 = vector.broadcast %get3A_92 : vector<1x2048xf32> to vector<512x2048xf32>
    %add3A_94 = arith.addf %add3A_89, %add3A_93 : vector<512x2048xf32>
    %reduce_min3A_95 = arith.constant dense<0x7F800000> : vector<512xf32>
    %reduce_min3A_96 = vector.multi_reduction <minimumf>, %add3A_94, %reduce_min3A_95 [1] : vector<512x2048xf32> to vector<512xf32>
    %broadcast_in_dim3A_97 = vector.shape_cast %reduce_min3A_96 : vector<512xf32> to vector<512x1xf32>
    %iota3A_98 = tpu.iota {dimensions = array<i32: 1>} : vector<512x2048xi32>
    %eq3A_99 = vector.broadcast %broadcast_in_dim3A_97 : vector<512x1xf32> to vector<512x2048xf32>
    %eq3A_100 = arith.cmpf oeq, %add3A_94, %eq3A_99 : vector<512x2048xf32>
    %jit3A_101 = arith.constant 1073741824 : i32
    %broadcast_in_dim3A_102 = vector.broadcast %jit3A_101 : i32 to vector<512x2048xi32>
    %select_n3A_103 = arith.select %eq3A_100, %iota3A_98, %broadcast_in_dim3A_102 : vector<512x2048xi1>, vector<512x2048xi32>
    %reduce_min3A_104 = arith.constant dense<2147483647> : vector<512xi32>
    %reduce_min3A_105 = vector.multi_reduction <minsi>, %select_n3A_103, %reduce_min3A_104 [1] : vector<512x2048xi32> to vector<512xi32>
    %broadcast_in_dim3A_106 = vector.shape_cast %reduce_min3A_105 : vector<512xi32> to vector<512x1xi32>
    %add3A_107 = arith.constant 6144 : i32
    %add3A_108 = vector.broadcast %add3A_107 : i32 to vector<512x1xi32>
    %add3A_109 = arith.addi %broadcast_in_dim3A_106, %add3A_108 : vector<512x1xi32>
    %lt3A_110 = arith.cmpf olt, %broadcast_in_dim3A_97, %broadcast_in_dim3A_70 : vector<512x1xf32>
    %select_n3A_111 = arith.select %lt3A_110, %broadcast_in_dim3A_97, %broadcast_in_dim3A_70 : vector<512x1xi1>, vector<512x1xf32>
    %select_n3A_112 = arith.select %lt3A_110, %add3A_109, %add3A_82 : vector<512x1xi1>, vector<512x1xi32>
    %lt3A_113 = arith.cmpf olt, %select_n3A_111, %convert_element_type3A_55 : vector<512x1xf32>
    %select_n3A_114 = arith.select %lt3A_113, %select_n3A_111, %select_n3A_53 : vector<512x1xi1>, vector<512x1xf32>
    %select_n3A_115 = arith.select %lt3A_113, %select_n3A_112, %select_n3A_54 : vector<512x1xi1>, vector<512x1xi32>
    %reshape3A = vector.shape_cast %select_n3A_115 : vector<512x1xi32> to vector<1x4x128xi32>
    %swap3A = arith.constant 0 : index
    %swap3A_116 = arith.constant 0 : index
    %swap3A_117 = arith.constant 0 : index
    %swap3A_118 = vector.load %arg5[%swap3A, %swap3A_116, %swap3A_117] : memref<1x4x128xi32, #tpu.memory_space<vmem>>, vector<1x4x128xi32>
    tpu.vector_store %arg5[%swap3A, %swap3A_116, %swap3A_117], %reshape3A {strides = array<i32>} : memref<1x4x128xi32, #tpu.memory_space<vmem>>, vector<1x4x128xi32>,
    %reduce_sum3A = vector.shape_cast %select_n3A_114 : vector<512x1xf32> to vector<1x512x1xf32>
    %reduce_sum3A_119 = arith.constant dense<0.000000e+00> : vector<1xf32>
    %reduce_sum3A_120 = vector.multi_reduction <add>, %reduce_sum3A, %reduce_sum3A_119 [1, 2] : vector<1x512x1xf32> to vector<1xf32>
    %reduce_sum3A_121 = vector.shape_cast %reduce_sum3A_120 : vector<1xf32> to vector<1x1x1xf32>
    %reduce_sum3A_122 = vector.extract %reduce_sum3A_121[0, 0, 0] : f32 from vector<1x1x1xf32>
    %reshape3A_123 = vector.broadcast %reduce_sum3A_122 : f32 to vector<1x1x1xf32>
    %swap3A_124 = arith.constant 0 : index
    %swap3A_125 = arith.constant 0 : index
    %swap3A_126 = arith.constant 0 : index
    %swap3A_127 = vector.load %arg6[%swap3A_124, %swap3A_125, %swap3A_126] : memref<1x1x1xf32, #tpu.memory_space<vmem>>, vector<1x1x1xf32>
    tpu.vector_store %arg6[%swap3A_124, %swap3A_125, %swap3A_126], %reshape3A_123 {strides = array<i32>} : memref<1x1x1xf32, #tpu.memory_space<vmem>>, vector<1x1x1xf32>,
    return
  }
  func.func @transform_0(%arg0: i32) -> (i32, i32) {
    %c0_i32 = arith.constant 0 : i32
    %c0_i32_0 = arith.constant 0 : i32
    return %arg0, %c0_i32 : i32, i32
  }
  func.func @transform_1(%arg0: i32) -> (i32, i32) {
    %c0_i32 = arith.constant 0 : i32
    %c0_i32_0 = arith.constant 0 : i32
    return %arg0, %c0_i32 : i32, i32
  }
  func.func @transform_2(%arg0: i32) -> (i32, i32) {
    %c0_i32 = arith.constant 0 : i32
    %c0_i32_0 = arith.constant 0 : i32
    %c0_i32_1 = arith.constant 0 : i32
    return %c0_i32, %c0_i32_0 : i32, i32
  }
  func.func @transform_3(%arg0: i32) -> (i32, i32) {
    %c0_i32 = arith.constant 0 : i32
    %c0_i32_0 = arith.constant 0 : i32
    %c0_i32_1 = arith.constant 0 : i32
    return %c0_i32, %c0_i32_0 : i32, i32
  }
  func.func @transform_4(%arg0: i32) -> (i32, i32, i32) {
    %c0_i32 = arith.constant 0 : i32
    %c0_i32_0 = arith.constant 0 : i32
    %c0_i32_1 = arith.constant 0 : i32
    return %arg0, %c0_i32, %c0_i32_0 : i32, i32, i32
  }
  func.func @transform_5(%arg0: i32) -> (i32, i32, i32) {
    %c0_i32 = arith.constant 0 : i32
    %c0_i32_0 = arith.constant 0 : i32
    %c0_i32_1 = arith.constant 0 : i32
    return %arg0, %c0_i32, %c0_i32_0 : i32, i32, i32
  }
}

</mosaic_0001>

<sc_bundles>
// kernel: kernel.4.cloned.1.call-start
scs
__scs_entry_jumppad:
0x0: {  	(pc) =	sbr.rel $0x88, $3  }
0x1: {  	(tag) =	ssettag $0x0;
	lr =	simm.s32 $0x1  }
0x2: {  	[smem:$0x3F9F] =	sst lr;
	_ =	strace $0xD0000000  }
0x3: {  	_ = 	snop  }
0x4: {  	_ = 	snop  }
0x5: {  	_ = 	snop  }
0x6: {  	_ = 	snop  }
0x7: {  	_ = 	snop  }
__scs_overlays_trampoline_lowered:
0x8: {  	[smem:$0x3FAE] =	sst s0  }
0x9: {  	[smem:$0x3FAF] =	sst s1  }
0xa: {  	[smem:$0x3FB0] =	sst s2  }
0xb: {  	[smem:$0x3FB1] =	sst s3  }
0xc: {  	[smem:$0x3FB2] =	sst s4  }
0xd: {  	[smem:$0x3FB3] =	sst s5  }
0xe: {  	[smem:$0x3FB4] =	sst s6  }
0xf: {  	[smem:$0x3FB5] =	sst s7  }
0x10: {  	[smem:$0x3FB6] =	sst s8  }
0x11: {  	[smem:$0x3FB7] =	sst s9;
	s0 =	simm.s32 @!p0 $0x0  }
0x12: {  	s1 =	sld [smem:$0x3F9D];
	s0 =	simm.s32 @p0 $0x1  }
0x13: {  	[smem:$0x3FB8] =	sst s0;
	s0 =	simm.s32 @!p1 $0x0  }
0x14: {  	s2 =	sld [smem:$0x3F9C];
	s0 =	simm.s32 @p1 $0x1  }
0x15: {  	[smem:$0x3FB9] =	sst s0;
	s0 =	simm.s32 @!p2 $0x0  }
0x16: {  	s3 =	sld [smem:$0x3FDB];
	s0 =	simm.s32 @p2 $0x1  }
0x17: {  	s4 =	simm.s32 $0x1BF5;
	[smem:$0x3FBB] =	sst s0  }
0x18: {  	s0 =	sld [smem:$0x3F9E];
	_ =	swait.ge [sflag:s4], $0x0  }
0x19: {  	s7 =	sld [smem:$0x3F9F]  }
0x1a: {  	s8 =	sadd.s32 $0xFFFFE003, lr  }
0x1b: {  	s9 =	sadd.s32 $0xFFFFFEF7, lr;
	s5 =	simm.s32 $0xFFFFFFFF;
	p2 =	slt.u32 s8, $0xFFFFF086  }
0x1c: {  	p1 =	slt.u32 s9, $0xF7A;
	s5 =	simm.s32 @!p2 $0x0  }
0x1d: {  	s5 =	simm.s32 @p1 $0x1;
	p0 =	seq.s32 s7, s2  }
0x1e: {  	s7 =	smul.u32 @!p0 $0xF7A, s2;
	p2 =	seq.s32 @!p0 s5, $0x0  }
0x1f: {  	s9 =	smul.u32 $0xF7A, s1;
	s8 =	simm.s32 @!p0 $0x1BF5;
	p2 =	por !p2, p0  }
0x20: {  	[sflag:s8] =	ssyncset.s32 @!p0 $0xFFFFF086;
	s6 =	sadd.s32 @!p0 s3, s7;
	s7 =	simm.s32 @!p0 $0x108  }
0x21: {  	s3 =	sadd.s32 s3, s9;
	s6 =	sadd.s32 @!p0 $0x88, s6;
	s7 =	simm.s32 @p2 $0x1082  }
0x22: {  	[simem:s7], [sflag:s8] =	dma.local @!p0 [hbm:s6], $0xF7A  }
0x23: {  	s9 =	sor.u32 $0xD0000000, s2;
	s6 =	simm.s32 $0x108;
	_ =	swait.ge @!p0 [sflag:s8], $0x0  }
0x24: {  	s3 =	sadd.s32 $0x88, s3;
	s6 =	simm.s32 @!p1 $0x1082;
	[sflag:s4] =	ssyncset.s32 $0xFFFFF086  }
0x25: {  	[simem:s6], [sflag:s4] =	dma.local [hbm:s3], $0xF7A  }
0x26: {  	[smem:$0x3F9F] =	sst s1;
	(tag) =	ssettag s2;
	_ =	strace s9  }
0x27: {  	s1 =	sld [smem:$0x3FAF]  }
0x28: {  	s2 =	sld [smem:$0x3FB0]  }
0x29: {  	s4 =	sld [smem:$0x3FB2]  }
0x2a: {  	p0 =	seq.s32 s5, $0x0;
	s5 =	sld [smem:$0x3FB3]  }
0x2b: {  	s6 =	sld [smem:$0x3FB4]  }
0x2c: {  	s7 =	sld [smem:$0x3FB5]  }
0x2d: {  	s3 =	simm.s32 $0x108;
	s8 =	sld [smem:$0x3FB6]  }
0x2e: {  	s3 =	simm.s32 @!p0 $0x1082;
	s9 =	sld [smem:$0x3FB7]  }
0x2f: {  	lr =	sadd.s32 s0, s3;
	s0 =	sld [smem:$0x3FAE]  }
0x30: {  	s3 =	sld [smem:$0x3FB1]  }
0x31: {  	[smem:$0x3FBA] =	sst s10  }
0x32: {  	s10 =	sld [smem:$0x3FB8];
	_ =	sdelay $0x3  }
0x33: {  	p0 =	seq.s32 s10, $0x1;
	s10 =	sld [smem:$0x3FBA];
	_ =	sdelay $0x3  }
0x34: {  	[smem:$0x3FBA] =	sst s10  }
0x35: {  	s10 =	sld [smem:$0x3FB9];
	_ =	sdelay $0x3  }
0x36: {  	p1 =	seq.s32 s10, $0x1;
	s10 =	sld [smem:$0x3FBA];
	_ =	sdelay $0x3  }
0x37: {  	[smem:$0x3FBA] =	sst s10  }
0x38: {  	s10 =	sld [smem:$0x3FBB]  }
0x39: {  	_ = 	snop;
	(pc) =	sbr.ind lr, $3  }
0x3a: {  	_ = 	snop  }
0x3b: {  	_ = 	snop  }
0x3c: {  	p2 =	seq.s32 s10, $0x1;
	s10 =	sld [smem:$0x3FBA]  }
0x3d: {  	_ =	shalt  }
0x3e: {  	_ =	shalt  }
0x3f: {  	_ =	shalt  }
0x40: {  	_ =	shalt  }
0x41: {  	_ =	shalt  }
0x42: {  	_ =	shalt  }
0x43: {  	_ =	shalt  }
0x44: {  	_ =	shalt  }
0x45: {  	_ =	shalt  }
0x46: {  	_ =	shalt  }
0x47: {  	_ =	shalt  }
0x48: {  	_ =	shalt  }
0x49: {  	_ =	shalt  }
0x4a: {  	_ =	shalt  }
0x4b: {  	_ =	shalt  }
0x4c: {  	_ =	shalt  }
0x4d: {  	_ =	shalt  }
0x4e: {  	_ =	shalt  }
0x4f: {  	_ =	shalt  }
0x50: {  	_ =	shalt  }
0x51: {  	_ =	shalt  }
0x52: {  	_ =	shalt  }
0x53: {  	_ =	shalt  }
0x54: {  	_ =	shalt  }
0x55: {  	_ =	shalt  }
0x56: {  	_ =	shalt  }
0x57: {  	_ =	shalt  }
0x58: {  	_ =	shalt  }
0x59: {  	_ =	shalt  }
0x5a: {  	_ =	shalt  }
0x5b: {  	_ =	shalt  }
0x5c: {  	_ =	shalt  }
0x5d: {  	_ =	shalt  }
0x5e: {  	_ =	shalt  }
0x5f: {  	_ =	shalt  }
0x60: {  	_ =	shalt  }
0x61: {  	_ =	shalt  }
0x62: {  	_ =	shalt  }
0x63: {  	_ =	shalt  }
0x64: {  	_ =	shalt  }
0x65: {  	_ =	shalt  }
0x66: {  	_ =	shalt  }
0x67: {  	_ =	shalt  }
0x68: {  	_ =	shalt  }
0x69: {  	_ =	shalt  }
0x6a: {  	_ =	shalt  }
0x6b: {  	_ =	shalt  }
0x6c: {  	_ =	shalt  }
0x6d: {  	_ =	shalt  }
0x6e: {  	_ =	shalt  }
0x6f: {  	_ =	shalt  }
0x70: {  	_ =	shalt  }
0x71: {  	_ =	shalt  }
0x72: {  	_ =	shalt  }
0x73: {  	_ =	shalt  }
0x74: {  	_ =	shalt  }
0x75: {  	_ =	shalt  }
0x76: {  	_ =	shalt  }
0x77: {  	_ =	shalt  }
0x78: {  	_ =	shalt  }
0x79: {  	_ =	shalt  }
0x7a: {  	_ =	shalt  }
0x7b: {  	_ =	shalt  }
0x7c: {  	_ =	shalt  }
0x7d: {  	_ =	shalt  }
0x7e: {  	_ =	shalt  }
0x7f: {  	_ =	shalt  }
0x80: {  	_ =	shalt  }
0x81: {  	_ =	shalt  }
0x82: {  	_ =	shalt  }
0x83: {  	_ =	shalt  }
0x84: {  	_ =	shalt  }
0x85: {  	_ =	shalt  }
0x86: {  	_ =	shalt  }
0x87: {  	_ =	shalt  }
.Lfunc_end0:
.L_simem_size_0:
called_computation_lowered:
.L_overlay_start_0:
0x88: {  	s2 =	sld [smem:$0x3FD9]  }
0x89: {  	s3 =	sld [smem:$0x3FFE];
	_ =	sdelay $0x1  }
0x8a: {  	s1 =	srdreg.scid  }
0x8b: {  	s0 =	sand.u32 $0x1, s1  }
0x8c: {  	s14 =	sshll.u32 s0, $0xA;
	s2 =	sadd.s32 s3, s2  }
0x8d: {  	s2 =	sadd.s32 s2, s14  }
0x8e: {  	[smem:$0x3FC6] =	sst s2  }
0x8f: {  	_ = 	snop  }
0x90: {  	s2 =	sld [smem:$0x3FD0];
	_ =	sdelay $0x2  }
0x91: {  	s15 =	simm.s32 $0xA;
	s4 =	simm.s32 $0x10  }
0x92: {  	[smem:s4], [sflag:s15] =	dma.local [hbm:s2], $0x1  }
0x93: {  	_ =	swait.eq [sflag:s15], $0x1  }
0x94: {  	[sflag:s15] =	ssyncset.done $0x0  }
0x95: {  	s16 =	sld [smem:$0x10];
	[sflag:s15] =	ssyncadd.s32 $0xFFFFFFFF  }
0x96: {  	s17 =	sld [smem:$0x11];
	(tm) =	ssettm $0x1  }
0x97: {  	s18 =	sld [smem:$0x3FFB];
	_ =	sdelay $0x3  }
0x98: {  	_ =	strace s18  }
0x99: {  	s4 =	sld [smem:$0x3FFC];
	_ =	sdelay $0x3  }
0x9a: {  	_ =	strace s4  }
0x9b: {  	s4 =	sld [smem:$0x3FFD];
	_ =	sdelay $0x3  }
0x9c: {  	_ =	strace s4  }
0x9d: {  	_ =	strace $0x8FFFFFFF  }
0x9e: {  	s19 =	sld [smem:$0x3FDB];
	_ =	sdelay $0x1  }
0x9f: {  	s5 =	simm.s32 $_scs_section_size  }
0xa0: {  	s6 =	simm.s32 $_size__tile_overlayer_lowered;
	s7 =	simm.s32 $_tile_overlayer_lowered  }
0xa1: {  	s22 =	simm.s32 $0x1BFF;
	s21 =	sshll.u32 s7, $0x1;
	s4 =	sadd.s32 s5, s19  }
0xa2: {  	s8 =	simm.s32 $0x0;
	s20 =	sshll.u32 s6, $0x1;
	s6 =	sadd.s32 s21, s4  }
0xa3: {  	[timem:s8], [sflag:s22] =	dma.local [hbm:s6], s20  }
0xa4: {  	_ =	swait.ge [sflag:s22], s20  }
0xa5: {  	s5 =	ssub.s32 $0x0, s20;
	[sflag:s22] =	ssyncset.done $0x0  }
0xa6: {  	[sflag:s22] =	ssyncadd.s32 s5;
	_ =	sdelay $0x1  }
0xa7: {  	s23 =	simm.s32 $0x1B8B  }
0xa8: {  	_ =	swait.ge [sflag:s23], $0x1  }
0xa9: {  	[sflag:s23] =	ssyncset.done $0x0  }
0xaa: {  	s25 =	simm.s32 $0x1B8E;
	s24 =	sld [smem:$0x3FFE];
	[sflag:s23] =	ssyncadd.s32 $0xFFFFFFFF  }
0xab: {  	s26 =	simm.s32 $execute0_lowered;
	[smem:$0x3FD2] =	sst s25  }
0xac: {  	s6 =	sshll.u32 s26, $0x1;
	_ =	strace $0x80000046;
	[dreg:$0x1] =	wrdreg $0xFFFFFFFF  }
0xad: {  	s28 =	simm.s32 $_size_execute0_lowered;
	s4 =	sadd.s32 s4, s6;
	[dreg:$0x0] =	wrdreg $0x0  }
0xae: {  	s6 =	sshll.u32 s28, $0x1;
	[dreg:$0x2] =	wrdreg s4  }
0xaf: {  	[dreg:$0x3] =	wrdreg s6  }
0xb0: {  	[dreg:$0x4] =	wrdreg $0xC0  }
0xb1: {  	_ =	task [dreg:s8], $0x5FFFF  }
0xb2: {  	[dreg:$0x1] =	wrdreg $0xFFFFFFFF  }
0xb3: {  	[dreg:$0x0] =	wrdreg $0x60  }
0xb4: {  	[dreg:$0x2] =	wrdreg s24  }
0xb5: {  	[dreg:$0x3] =	wrdreg s17  }
0xb6: {  	[dreg:$0x4] =	wrdreg s16  }
0xb7: {  	[dreg:$0x5] =	wrdreg $0x84800  }
0xb8: {  	[dreg:$0x6] =	wrdreg $0x9  }
0xb9: {  	_ =	task.clear_ibuf [dreg:s8], $0x7FFFF;
	_ =	strace $0x90000046  }
0xba: {  	s29 =	simm.s32 $0x9;
	_ =	strace $0x80000048  }
0xbb: {  	_ =	swait.ge [sflag:s29], $0x1  }
0xbc: {  	[sflag:s29] =	ssyncadd.s32 $0xFFFFFFFF  }
0xbd: {  	_ =	strace $0x90000048  }
0xbe: {  	_ =	sfence  }
0xbf: {  	s30 =	sld [smem:$0x0];
	_ =	sdelay $0x2  }
0xc0: {  	s31 =	sshll.u32 s1, $0xD;
	s1 =	sshrl.u32 s1, $0x2  }
0xc1: {  	s3 =	sand.u32 $0x4000, s31;
	s1 =	sadd.s32 s1, s30  }
0xc2: {  	s0 =	sor.u32 s3, s0;
	s1 =	sshll.u32 s1, $0x11  }
0xc3: {  	s0 =	sor.u32 s1, s0  }
0xc4: {  	s0 =	sadd.s32 $0x8F2B, s0  }
0xc5: {  	[sflag:s0] =	ssyncadd.remote.s32 $0x1  }
0xc6: {  	_ =	sfence.sel $0xFFFF  }
0xc7: {  	[dreg:$0x0] =	wrdreg $0xFFFFFFFF;
	(pc) =	sbr.abs _section_cstart, $3  }
0xc8: {  	[dreg:$0x1] =	wrdreg $0xFFFFFFFF  }
0xc9: {  	_ =	task.clear_ibuf [dreg:s8], $0x2FFFF;
	_ =	strace $0x9FFFFFFF  }
0xca: {  	(tm) =	ssettm $0x7FFFFFFF  }
0xcb: {  	_ =	shalt  }
tec
execute0_lowered:
.L_overlay_start_1:
0x0: {  	(tag) =	ssettag $0x1  }
0x1: {  	s8 =	rddreg [dreg:$0x0]  }
0x2: {  	s3 =	rddreg [dreg:$0x1];
	s1 =	srdreg.scid  }
0x3: {  	s15 =	rddreg [dreg:$0x2];
	s0 =	stileid.u32;
	s16 =	sand.u32 $0x1, s1  }
0x4: {  	s2 =	rddreg [dreg:$0x3];
	s4 =	sshll.u32 s0, $0x3;
	s6 =	sshll.u32 s16, $0x2  }
0x5: {  	s5 =	simm.s32 $0x0;
	s1 =	rddreg [dreg:$0x4];
	s17 =	sor.u32 s6, s4  }
0x6: {  	[smem:$0x7FF] =	sst s5;
	s4 =	sshll.u32 s17, $0x4  }
0x7: {  	_ =	strace $0x80000047;
	s9 =	sadd.s32 s3, s4;
	s3 =	simm.s32 $0x2  }
0x8: {  	[tilespmem:s5], [sflag:$0x2] =	stream.linear.gather [hbm4b:s9+s5], $0x200, $0x38;
	[tilespmem:$0x8680] =	vst v63  }
0x9: {  	_ =	swait.ge [sflag:s3], $0x200  }
0xa: {  	[sflag:s3] =	ssyncset.done $0x0  }
0xb: {  	s10 =	simm.s32 $0x200;
	s4 =	simm.s32 $0x80;
	[sflag:s3] =	ssyncadd.s32 $0xFFFFFE00  }
0xc: {  	[tilespmem:s10], [sflag:$0x1] =	stream.indirect.gather [hbm4b:s8+s4], $0x40, s5, s4, $0xb8;
	[tilespmem:$0x8680] =	vst v63  }
0xd: {  	s11 =	simm.s32 $0x2200  }
0xe: {  	[tilespmem:s11], [sflag:$0x1] =	stream.indirect.gather [hbm4b:s8+s4], $0x40, s4, s4, $0xb8;
	[tilespmem:$0x8680] =	vst v63  }
0xf: {  	s7 =	simm.s32 $0x100;
	s12 =	simm.s32 $0x4200  }
0x10: {  	[tilespmem:s12], [sflag:$0x1] =	stream.indirect.gather [hbm4b:s8+s4], $0x40, s7, s4, $0xb8;
	[tilespmem:$0x8680] =	vst v63  }
0x11: {  	s13 =	simm.s32 $0x6200;
	s14 =	simm.s32 $0x1;
	s6 =	simm.s32 $0x180  }
0x12: {  	[tilespmem:s13], [sflag:$0x1] =	stream.indirect.gather [hbm4b:s8+s4], $0x40, s6, s4, $0xb8;
	[tilespmem:$0x8680] =	vst v63  }
0x13: {  	_ =	swait.ge [sflag:s14], $0x2000  }
0x14: {  	[sflag:s14] =	ssyncset.done $0x0  }
0x15: {  	[sflag:s14] =	ssyncadd.s32 $0xFFFFE000  }
0x16: {  	_ =	swait.ge [sflag:s14], $0x2000  }
0x17: {  	[sflag:s14] =	ssyncset.done $0x0  }
0x18: {  	[sflag:s14] =	ssyncadd.s32 $0xFFFFE000  }
0x19: {  	_ =	swait.ge [sflag:s14], $0x2000  }
0x1a: {  	[sflag:s14] =	ssyncset.done $0x0  }
0x1b: {  	[sflag:s14] =	ssyncadd.s32 $0xFFFFE000  }
0x1c: {  	_ =	swait.ge [sflag:s14], $0x2000  }
0x1d: {  	s17 =	sshll.u32 s17, $0xA;
	[sflag:s14] =	ssyncset.done $0x0  }
0x1e: {  	s15 =	sadd.s32 s15, s17;
	[sflag:s14] =	ssyncadd.s32 $0xFFFFE000  }
0x1f: {  	[hbm4b:s15+s5] =	stream.linear.scatter [tilespmem:s10], [sflag:$0x2], $0x8000, $0x38;
	[tilespmem:$0x8680] =	vst v63  }
0x20: {  	_ =	swait.ge [sflag:s3], $0x8000  }
0x21: {  	[sflag:s3] =	ssyncset.done $0x0  }
0x22: {  	v1 =	vimm.f32 $1.000000000e+00;
	[sflag:s3] =	ssyncadd.s32 $0xFFFF8000  }
0x23: {  	[tilespmem:$0x8270] =	vst v1  }
0x24: {  	[tilespmem:$0x8260] =	vst v1  }
0x25: {  	[tilespmem:$0x8250] =	vst v1  }
0x26: {  	[tilespmem:$0x8240] =	vst v1  }
0x27: {  	[tilespmem:$0x8230] =	vst v1  }
0x28: {  	[tilespmem:$0x8220] =	vst v1  }
0x29: {  	[tilespmem:$0x8210] =	vst v1  }
0x2a: {  	v0 =	vimm.f32 $0.0e+00;
	[tilespmem:$0x8200] =	vst v1  }
0x2b: {  	[tilespmem:$0x8470] =	vst v0  }
0x2c: {  	[tilespmem:$0x8460] =	vst v0  }
0x2d: {  	[tilespmem:$0x8450] =	vst v0  }
0x2e: {  	[tilespmem:$0x8440] =	vst v0  }
0x2f: {  	[tilespmem:$0x8430] =	vst v0  }
0x30: {  	[tilespmem:$0x8420] =	vst v0  }
0x31: {  	[tilespmem:$0x8410] =	vst v0  }
0x32: {  	[tilespmem:$0x8400] =	vst v0  }
0x33: {  	s18 =	sshll.u32 s16, $0xD;
	s16 =	ssub.s32 $0x2, s16;
	[tilespmem:$0x83F0] =	vst v0  }
0x34: {  	s19 =	sshrl.u32 s16, $0x1;
	[tilespmem:$0x83E0] =	vst v0  }
0x35: {  	s19 =	ssub.s32 s16, s19;
	[tilespmem:$0x83D0] =	vst v0  }
0x36: {  	s22 =	smax.u32 s19, $0x1;
	[tilespmem:$0x83C0] =	vst v0  }
0x37: {  	p0 =	sne.s32 s22, $0x1;
	[tilespmem:$0x83B0] =	vst v0  }
.Ltmp0:
0x38: {  	s30 =	sshll.u32 s0, $0x9;
	[tilespmem:$0x83A0] =	vst v0;
	(pc) =	sbr.rel @!p0 .LBB2_2-.Ltmp0, $4  }
0x39: {  	s21 =	simm.s32 $0x8280;
	s18 =	sor.u32 s30, s18;
	[tilespmem:$0x8390] =	vst v0  }
0x3a: {  	s31 =	sshll.u32 s0, $0x6;
	s20 =	sadd.s32 s30, s2;
	s18 =	sshrl.u32 s18, $0x3;
	[tilespmem:$0x8380] =	vst v0  }
0x3b: {  	s18 =	sadd.s32 s18, s8;
	s17 =	sor.u32 $0x1C02, s31;
	s19 =	sshrl.u32 s20, $0x3;
	[tilespmem:$0x8370] =	vst v0  }
0x3c: {  	s16 =	sadd.s32 $0x10000, s18;
	s18 =	simm.s32 $0x8200;
	s22 =	sadd.s32 $0xFFFFFFFF, s22;
	[tilespmem:$0x8360] =	vst v0  }
.LBB2_1:
0x3d: {  	p0 =	sne.s32 s22, $0x1;
	s22 =	sadd.s32 $0xFFFFFFFF, s22;
	[tilespmem:$0x8350] =	vst v0  }
0x3e: {  	[tilespmem:$0x8340] =	vst v0  }
0x3f: {  	[tilespmem:$0x8330] =	vst v0  }
0x40: {  	[tilespmem:$0x8320] =	vst v0  }
0x41: {  	[tilespmem:$0x8310] =	vst v0  }
0x42: {  	[tilespmem:$0x8300] =	vst v0  }
0x43: {  	[tilespmem:$0x82F0] =	vst v0  }
0x44: {  	[tilespmem:$0x82E0] =	vst v0  }
0x45: {  	[tilespmem:$0x82D0] =	vst v0  }
0x46: {  	[tilespmem:$0x82C0] =	vst v0  }
0x47: {  	[tilespmem:$0x82B0] =	vst v0  }
0x48: {  	[tilespmem:$0x82A0] =	vst v0  }
0x49: {  	[tilespmem:$0x8280] =	vst v0  }
0x4a: {  	[tilespmem:$0x8290] =	vst v0  }
0x4b: {  	[spmem:s20] =	stream.linear.scatter [tilespmem:s21], [sflag:$0x2], $0x200, $0x38;
	[tilespmem:$0x8680] =	vst v63  }
0x4c: {  	_ =	swait.ge [sflag:s3], $0x200  }
0x4d: {  	[sflag:s3] =	ssyncset.done $0x0  }
0x4e: {  	[sflag:s3] =	ssyncadd.s32 $0xFFFFFE00  }
0x4f: {  	[bflag:$0x0] =	sbarrier.arrive $0xFFFF  }
0x50: {  	[spmem:s2] =	stream.indirect.scatter.add.f32 [tilespmem:s18], [sflag:$0x2], $0x1, s5, s4, $0xb8;
	[tilespmem:$0x8680] =	vst v63  }
0x51: {  	_ =	swait.ge [sflag:s3], $0x80  }
0x52: {  	[sflag:s3] =	ssyncset.done $0x0  }
0x53: {  	[sflag:s3] =	ssyncadd.s32 $0xFFFFFF80  }
0x54: {  	[spmem:s2] =	stream.indirect.scatter.add.f32 [tilespmem:s18], [sflag:$0x2], $0x1, s4, s4, $0xb8;
	[tilespmem:$0x8680] =	vst v63  }
0x55: {  	_ =	swait.ge [sflag:s3], $0x80  }
0x56: {  	[sflag:s3] =	ssyncset.done $0x0  }
0x57: {  	[sflag:s3] =	ssyncadd.s32 $0xFFFFFF80  }
0x58: {  	[spmem:s2] =	stream.indirect.scatter.add.f32 [tilespmem:s18], [sflag:$0x2], $0x1, s7, s4, $0xb8;
	[tilespmem:$0x8680] =	vst v63  }
0x59: {  	_ =	swait.ge [sflag:s3], $0x80  }
0x5a: {  	[sflag:s3] =	ssyncset.done $0x0  }
0x5b: {  	[sflag:s3] =	ssyncadd.s32 $0xFFFFFF80  }
0x5c: {  	[spmem:s2] =	stream.indirect.scatter.add.f32 [tilespmem:s18], [sflag:$0x2], $0x1, s6, s4, $0xb8;
	[tilespmem:$0x8680] =	vst v63  }
0x5d: {  	_ =	swait.ge [sflag:s3], $0x80  }
0x5e: {  	[sflag:s3] =	ssyncset.done $0x0  }
0x5f: {  	[sflag:s3] =	ssyncadd.s32 $0xFFFFFF80  }
0x60: {  	[bflag:$0x0] =	sbarrier.arrive $0xFFFF  }
0x61: {  	[hbm:s16], [sflag:s17] =	dma.local [spmem:s19], $0x40  }
0x62: {  	_ =	swait.ge [sflag:s3], $0x40  }
0x63: {  	[sflag:s3] =	ssyncset.done $0x0  }
0x64: {  	[sflag:s3] =	ssyncadd.s32 $0xFFFFFFC0  }
0x65: {  	[tilespmem:s5], [sflag:$0x2] =	stream.linear.gather [hbm4b:s9+s5], $0x200, $0x38;
	[tilespmem:$0x8680] =	vst v63  }
0x66: {  	_ =	swait.ge [sflag:s3], $0x200  }
0x67: {  	[sflag:s3] =	ssyncset.done $0x0  }
0x68: {  	[sflag:s3] =	ssyncadd.s32 $0xFFFFFE00  }
0x69: {  	[tilespmem:s10], [sflag:$0x1] =	stream.indirect.gather [hbm4b:s8+s4], $0x40, s5, s4, $0xb8;
	[tilespmem:$0x8680] =	vst v63  }
0x6a: {  	_ = 	snop  }
0x6b: {  	[tilespmem:s11], [sflag:$0x1] =	stream.indirect.gather [hbm4b:s8+s4], $0x40, s4, s4, $0xb8;
	[tilespmem:$0x8680] =	vst v63  }
0x6c: {  	_ = 	snop  }
0x6d: {  	[tilespmem:s12], [sflag:$0x1] =	stream.indirect.gather [hbm4b:s8+s4], $0x40, s7, s4, $0xb8;
	[tilespmem:$0x8680] =	vst v63  }
0x6e: {  	_ = 	snop  }
0x6f: {  	[tilespmem:s13], [sflag:$0x1] =	stream.indirect.gather [hbm4b:s8+s4], $0x40, s6, s4, $0xb8;
	[tilespmem:$0x8680] =	vst v63  }
0x70: {  	_ =	swait.ge [sflag:s14], $0x2000  }
0x71: {  	[sflag:s14] =	ssyncset.done $0x0  }
0x72: {  	[sflag:s14] =	ssyncadd.s32 $0xFFFFE000  }
0x73: {  	_ =	swait.ge [sflag:s14], $0x2000  }
0x74: {  	[sflag:s14] =	ssyncset.done $0x0  }
0x75: {  	[sflag:s14] =	ssyncadd.s32 $0xFFFFE000  }
0x76: {  	_ =	swait.ge [sflag:s14], $0x2000  }
0x77: {  	[sflag:s14] =	ssyncset.done $0x0  }
0x78: {  	[sflag:s14] =	ssyncadd.s32 $0xFFFFE000  }
0x79: {  	_ =	swait.ge [sflag:s14], $0x2000  }
0x7a: {  	[sflag:s14] =	ssyncset.done $0x0  }
0x7b: {  	[sflag:s14] =	ssyncadd.s32 $0xFFFFE000  }
0x7c: {  	[hbm4b:s15+s5] =	stream.linear.scatter [tilespmem:s10], [sflag:$0x2], $0x8000, $0x38;
	[tilespmem:$0x8680] =	vst v63  }
0x7d: {  	_ =	swait.ge [sflag:s3], $0x8000  }
0x7e: {  	[sflag:s3] =	ssyncset.done $0x0  }
0x7f: {  	[sflag:s3] =	ssyncadd.s32 $0xFFFF8000  }
0x80: {  	[tilespmem:$0x8270] =	vst v1  }
0x81: {  	[tilespmem:$0x8260] =	vst v1  }
0x82: {  	[tilespmem:$0x8250] =	vst v1  }
0x83: {  	[tilespmem:$0x8240] =	vst v1  }
0x84: {  	[tilespmem:$0x8230] =	vst v1  }
0x85: {  	[tilespmem:$0x8220] =	vst v1  }
0x86: {  	[tilespmem:$0x8210] =	vst v1  }
0x87: {  	[tilespmem:$0x8200] =	vst v1  }
0x88: {  	[tilespmem:$0x8470] =	vst v0  }
0x89: {  	[tilespmem:$0x8460] =	vst v0  }
0x8a: {  	[tilespmem:$0x8450] =	vst v0  }
0x8b: {  	[tilespmem:$0x8440] =	vst v0  }
0x8c: {  	[tilespmem:$0x8430] =	vst v0  }
0x8d: {  	[tilespmem:$0x8420] =	vst v0  }
0x8e: {  	[tilespmem:$0x8410] =	vst v0  }
0x8f: {  	[tilespmem:$0x8400] =	vst v0  }
0x90: {  	[tilespmem:$0x83F0] =	vst v0  }
0x91: {  	[tilespmem:$0x83E0] =	vst v0  }
0x92: {  	[tilespmem:$0x83D0] =	vst v0  }
0x93: {  	[tilespmem:$0x83C0] =	vst v0  }
0x94: {  	[tilespmem:$0x83B0] =	vst v0  }
.Ltmp1:
0x95: {  	[tilespmem:$0x83A0] =	vst v0;
	(pc) =	sbr.rel @p0 .LBB2_1-.Ltmp1, $4  }
0x96: {  	[tilespmem:$0x8390] =	vst v0  }
0x97: {  	[tilespmem:$0x8380] =	vst v0  }
0x98: {  	[tilespmem:$0x8370] =	vst v0  }
0x99: {  	[tilespmem:$0x8360] =	vst v0  }
.LBB2_2:
0x9a: {  	[tilespmem:$0x8350] =	vst v0  }
0x9b: {  	[tilespmem:$0x8340] =	vst v0  }
0x9c: {  	[tilespmem:$0x8330] =	vst v0  }
0x9d: {  	[tilespmem:$0x8320] =	vst v0  }
0x9e: {  	[tilespmem:$0x8310] =	vst v0  }
0x9f: {  	[tilespmem:$0x8300] =	vst v0  }
0xa0: {  	[tilespmem:$0x82F0] =	vst v0  }
0xa1: {  	[tilespmem:$0x82E0] =	vst v0  }
0xa2: {  	[tilespmem:$0x82D0] =	vst v0  }
0xa3: {  	[tilespmem:$0x82C0] =	vst v0  }
0xa4: {  	[tilespmem:$0x82B0] =	vst v0  }
0xa5: {  	[tilespmem:$0x82A0] =	vst v0  }
0xa6: {  	[tilespmem:$0x8280] =	vst v0  }
0xa7: {  	[tilespmem:$0x8290] =	vst v0  }
0xa8: {  	[spmem:s20] =	stream.linear.scatter [tilespmem:s21], [sflag:$0x2], $0x200, $0x38;
	[tilespmem:$0x8680] =	vst v63  }
0xa9: {  	_ =	swait.ge [sflag:s3], $0x200  }
0xaa: {  	[sflag:s3] =	ssyncset.done $0x0  }
0xab: {  	[sflag:s3] =	ssyncadd.s32 $0xFFFFFE00  }
0xac: {  	[bflag:$0x0] =	sbarrier.arrive $0xFFFF  }
0xad: {  	[spmem:s2] =	stream.indirect.scatter.add.f32 [tilespmem:s18], [sflag:$0x2], $0x1, s5, s4, $0xb8;
	[tilespmem:$0x8680] =	vst v63  }
0xae: {  	_ =	swait.ge [sflag:s3], $0x80  }
0xaf: {  	[sflag:s3] =	ssyncset.done $0x0  }
0xb0: {  	[sflag:s3] =	ssyncadd.s32 $0xFFFFFF80  }
0xb1: {  	[spmem:s2] =	stream.indirect.scatter.add.f32 [tilespmem:s18], [sflag:$0x2], $0x1, s4, s4, $0xb8;
	[tilespmem:$0x8680] =	vst v63  }
0xb2: {  	_ =	swait.ge [sflag:s3], $0x80  }
0xb3: {  	[sflag:s3] =	ssyncset.done $0x0  }
0xb4: {  	[sflag:s3] =	ssyncadd.s32 $0xFFFFFF80  }
0xb5: {  	[spmem:s2] =	stream.indirect.scatter.add.f32 [tilespmem:s18], [sflag:$0x2], $0x1, s7, s4, $0xb8;
	[tilespmem:$0x8680] =	vst v63  }
0xb6: {  	_ =	swait.ge [sflag:s3], $0x80  }
0xb7: {  	[sflag:s3] =	ssyncset.done $0x0  }
0xb8: {  	[sflag:s3] =	ssyncadd.s32 $0xFFFFFF80  }
0xb9: {  	[spmem:s2] =	stream.indirect.scatter.add.f32 [tilespmem:s18], [sflag:$0x2], $0x1, s6, s4, $0xb8;
	[tilespmem:$0x8680] =	vst v63  }
0xba: {  	_ =	swait.ge [sflag:s3], $0x80  }
0xbb: {  	[sflag:s3] =	ssyncset.done $0x0  }
0xbc: {  	[sflag:s3] =	ssyncadd.s32 $0xFFFFFF80  }
0xbd: {  	[bflag:$0x0] =	sbarrier.arrive $0xFFFF  }
0xbe: {  	[hbm:s16], [sflag:s17] =	dma.local [spmem:s19], $0x40  }
0xbf: {  	_ =	swait.ge [sflag:s3], $0x40  }
0xc0: {  	[sflag:s3] =	ssyncset.done $0x0  }
0xc1: {  	[sflag:s3] =	ssyncadd.s32 $0xFFFFFFC0  }
0xc2: {  	_ =	sfence.sel $0x180000  }
0xc3: {  	[bflag:$0x0] =	sbarrier.arrive $0xFFFF  }
0xc4: {  	p0 =	sne.s32 s0, $0x0;
	_ =	strace $0x90000047  }
0xc5: {  	s0 =	sadd.s32 @!p0 $0x100000, s1;
	[bflag:$0x2] =	sbarrier.arrive $0xFFFF  }
0xc6: {  	[sflag:s0] =	ssyncadd.tile.s32 @!p0 $0x1;
	_ =	shalt  }
.Lfunc_end2:
_tile_overlayer_lowered:
.L_overlay_start_2:
0xc7: {  	(tag) =	ssettag $0x2  }
0xc8: {  	s0 =	rddreg [dreg:$0x0];
	s2 =	stileid.u32  }
0xc9: {  	s1 =	rddreg [dreg:$0x1];
	p0 =	sne.s32 s2, $0x0  }
0xca: {  	s3 =	rddreg [dreg:$0x2];
	[bflag:$0x3] =	sbarrier.arrive $0xFFFF;
	s2 =	simm.s32 @!p0 $0x1C02  }
0xcb: {  	[timem:s3], [sflag:s2] =	dma.local @!p0 [hbm:s0], s1  }
0xcc: {  	s0 =	simm.s32 @!p0 $0x2  }
0xcd: {  	_ =	swait.ge @!p0 [sflag:s0], s1  }
0xce: {  	s1 =	ssub.s32 @!p0 $0x0, s1;
	[sflag:s0] =	ssyncset.done @!p0 $0x0  }
0xcf: {  	[sflag:s0] =	ssyncadd.s32 @!p0 s1  }
0xd0: {  	[bflag:$0x3] =	sbarrier.arrive $0xFFFF  }
0xd1: {  	_ =	shalt  }

</sc_bundles>
